<compile_context>
chip_gen: v7x
topology: tpu7x:2x2x1
jax: 0.10.2.dev20260603
libtpu: 0.0.44.dev20260713+nightly
codegen_flags: <defaults>
</compile_context>

<pallas_src>
import functools

import jax
import jax.numpy as jnp
from jax import lax
from jax.experimental import pallas as pl
from jax.experimental.pallas import tpu as pltpu
from jax.experimental.pallas import tpu_sc as plsc

B, S, T, H = 4, 2048, 8, 128
N = B * S
NW = 32
TOK_PER_W = N // NW
C = 32
NCHUNK = TOK_PER_W // C
NQ = NCHUNK // 2
LANES = 16
KV = H // LANES
EPS = 1e-12
IDXW = 32
NGATHER = (C * T) // IDXW
_RSQRT_MAGIC = 0x5F3759DF


def _body(rid_hbm, wts_hbm, ids_hbm, ttf_hbm, word_hbm, ref_hbm, pos_hbm,
          type_hbm, gamma_hbm, beta_hbm, out_hbm,
          ridx0, ridx1, wts0, wts1, widx0, widx1, ttf0, ttf1,
          ref0, ref1, word0, word1, pos0, pos1, outv0, outv1,
          type_v, gamma_v, beta_v,
          sem_i0, sem_i1, sem_g0, sem_g1, sem_o0, sem_o1):
    nc = 2
    wid = lax.axis_index("s") * nc + lax.axis_index("c")
    base = wid * TOK_PER_W

    ridx_v = (ridx0, ridx1)
    wts_v = (wts0, wts1)
    widx_v = (widx0, widx1)
    ttf_v = (ttf0, ttf1)
    ref_rows = (ref0, ref1)
    word_rows = (word0, word1)
    pos_rows = (pos0, pos1)
    out_v = (outv0, outv1)
    sem_i = (sem_i0, sem_i1)
    sem_g = (sem_g0, sem_g1)
    sem_o = (sem_o0, sem_o1)

    pltpu.sync_copy(type_hbm, type_v)
    pltpu.sync_copy(gamma_hbm, gamma_v)
    pltpu.sync_copy(beta_hbm, beta_v)

    def stage(c_idx, p):
        tok0 = base + c_idx * C
        ro = pl.multiple_of(tok0 // IDXW * T, 8)
        wo = pl.multiple_of(tok0 * T, 8)
        to = pl.multiple_of(tok0, 8)
        so = pl.multiple_of(lax.rem(tok0, S), 8)
        return [
            pltpu.async_copy(rid_hbm.at[pl.ds(ro, NGATHER)], ridx_v[p],
                             sem_i[p]),
            pltpu.async_copy(wts_hbm.at[pl.ds(wo, C * T)], wts_v[p],
                             sem_i[p]),
            pltpu.async_copy(ids_hbm.at[pl.ds(to, C)], widx_v[p], sem_i[p]),
            pltpu.async_copy(ttf_hbm.at[pl.ds(to, C)], ttf_v[p], sem_i[p]),
            pltpu.async_copy(pos_hbm.at[pl.ds(so, C)], pos_rows[p], sem_i[p]),
        ]

    def drain_stage(p):
        pltpu.make_async_copy(rid_hbm.at[pl.ds(0, NGATHER)], ridx_v[p],
                              sem_i[p]).wait()
        pltpu.make_async_copy(wts_hbm.at[pl.ds(0, C * T)], wts_v[p],
                              sem_i[p]).wait()
        pltpu.make_async_copy(ids_hbm.at[pl.ds(0, C)], widx_v[p],
                              sem_i[p]).wait()
        pltpu.make_async_copy(ttf_hbm.at[pl.ds(0, C)], ttf_v[p],
                              sem_i[p]).wait()
        pltpu.make_async_copy(pos_hbm.at[pl.ds(0, C)], pos_rows[p],
                              sem_i[p]).wait()

    def gathers(p):
        hs = [pltpu.async_copy(word_hbm.at[widx_v[p]], word_rows[p],
                               sem_g[p])]
        for j in range(NGATHER):
            hs.append(pltpu.async_copy(
                ref_hbm.at[ridx_v[p].at[j]],
                ref_rows[p].at[pl.ds(j * IDXW, IDXW)], sem_g[p]))
        return hs

    def drain_gathers(p):
        pltpu.make_async_copy(out_hbm.at[pl.ds(0, C)], word_rows[p],
                              sem_g[p]).wait()
        pltpu.make_async_copy(out_hbm.at[pl.ds(0, C * T)], ref_rows[p],
                              sem_g[p]).wait()

    def drain_out(p):
        pltpu.make_async_copy(out_v[p], out_hbm.at[pl.ds(0, C)],
                              sem_o[p]).wait()

    def compute(p):
        rr, wr, pr, ov = ref_rows[p], word_rows[p], pos_rows[p], out_v[p]
        wv_ref, tt_ref = wts_v[p], ttf_v[p]
        t0s = [type_v[0, pl.ds(k * LANES, LANES)] for k in range(KV)]
        dts = [type_v[1, pl.ds(k * LANES, LANES)] - t0s[k] for k in range(KV)]

        def one_token(i):
            wbase = i * T
            ttb = plsc.load_gather(tt_ref, [jnp.full((LANES,), i, jnp.int32)])
            wv = [plsc.load_gather(
                      wv_ref, [jnp.full((LANES,), wbase + t, jnp.int32)])
                  for t in range(T)]
            acc = []
            for k in range(KV):
                sl = pl.ds(k * LANES, LANES)
                a = wr[i, sl] + pr[i, sl] + t0s[k] + ttb * dts[k]
                for t in range(2):
                    a = a + wv[t] * rr[wbase + t, sl]
                acc.append(a)
            ssum = ((acc[0] + acc[1]) + (acc[2] + acc[3])) + \
                   ((acc[4] + acc[5]) + (acc[6] + acc[7]))
            mean = jnp.sum(ssum) * (1.0 / H)
            d = [a - mean for a in acc]
            dsq = ((d[0] * d[0] + d[1] * d[1]) + (d[2] * d[2] + d[3] * d[3])) + \
                  ((d[4] * d[4] + d[5] * d[5]) + (d[6] * d[6] + d[7] * d[7]))
            var = jnp.sum(dsq) * (1.0 / H)
            xv = jnp.full((LANES,), var + EPS, jnp.float32)
            ib = plsc.bitcast(xv, jnp.int32)
            yb = jnp.full((LANES,), _RSQRT_MAGIC, jnp.int32) - (ib >> 1)
            y = plsc.bitcast(yb, jnp.float32)
            for _ in range(2):
                y = y * (1.5 - 0.5 * xv * y * y)
            for k in range(KV):
                sl = pl.ds(k * LANES, LANES)
                ov[i, sl] = d[k] * y * gamma_v[sl] + beta_v[sl]

        @plsc.parallel_loop(0, C, 2, unroll=1)
        def tok_body(i):
            one_token(i)
            one_token(i + 1)
    def compute(p):
        pass

    def store_out(c_idx, p):
        oo = pl.multiple_of(base + c_idx * C, 8)
        return pltpu.async_copy(out_v[p], out_hbm.at[pl.ds(oo, C)], sem_o[p])

    for h in stage(0, 0):
        h.wait()
    gathers(0)
    stage(1, 1)

    def pair_body(q, carry):
        a = 2 * q
        drain_stage(1)
        gathers(1)
        drain_gathers(0)

        @pl.when(q > 0)
        def _():
            drain_out(0)
        compute(0)
        store_out(a, 0)

        @pl.when(q < NQ - 1)
        def _():
            stage(a + 2, 0)
            drain_stage(0)
            gathers(0)

        @pl.when(q > 0)
        def _():
            drain_out(1)
        drain_gathers(1)
        compute(1)
        store_out(a + 1, 1)

        @pl.when(q < NQ - 1)
        def _():
            stage(a + 3, 1)
        return carry

    lax.fori_loop(0, NQ, pair_body, 0)
    drain_out(0)
    drain_out(1)


@jax.jit
def _run(rid2, wts, ids, ttf, word_emb, ref_emb, pos_emb, type_emb,
         gamma, beta):
    mesh = plsc.VectorSubcoreMesh(core_axis_name="c", subcore_axis_name="s")
    dvmem = [
        pltpu.VMEM((NGATHER, IDXW), jnp.int32),
        pltpu.VMEM((C * T,), jnp.float32),
        pltpu.VMEM((C,), jnp.int32),
        pltpu.VMEM((C,), jnp.float32),
        pltpu.VMEM((C * T, H), jnp.float32),
        pltpu.VMEM((C, H), jnp.float32),
        pltpu.VMEM((C, H), jnp.float32),
        pltpu.VMEM((C, H), jnp.float32),
    ]
    scratch = []
    for t in dvmem:
        scratch += [t, t]
    scratch += [
        pltpu.VMEM((2, H), jnp.float32),
        pltpu.VMEM((H,), jnp.float32),
        pltpu.VMEM((H,), jnp.float32),
    ]
    scratch += [pltpu.SemaphoreType.DMA] * 6
    f = functools.partial(
        pl.kernel,
        out_type=jax.ShapeDtypeStruct((N, H), jnp.float32),
        mesh=mesh,
        compiler_params=pltpu.CompilerParams(needs_layout_passes=False),
        scratch_types=scratch,
    )(_body)
    return f(rid2, wts, ids, ttf, word_emb, ref_emb, pos_emb, type_emb,
             gamma, beta)


def kernel(reference_weights, word_emb, ref_emb, pos_emb, type_emb,
           ln_gamma, ln_beta, input_ids, token_type_ids, reference_ids):
    rid2 = reference_ids.reshape(N * T // IDXW, IDXW).astype(jnp.int32)
    wts = reference_weights.reshape(N * T)
    ids = input_ids.reshape(N).astype(jnp.int32)
    ttf = token_type_ids.reshape(N).astype(jnp.float32)
    out = _run(rid2, wts, ids, ttf, word_emb, ref_emb, pos_emb, type_emb,
               ln_gamma, ln_beta)
    return out.reshape(B, S, H)

# --- scband reference (transcript-rebuilt; emitter-appended) ---
"""Pipeline reference for scband-yago-ref-bert-embeddings-69295002354162 (READ-ONLY COPY).

The authoritative reference and input builder live on the scoring server;
editing this copy changes nothing except your own understanding.
"""

import jax, jax.numpy as jnp
import numpy as np

B, S, T, H = 4, 2048, 8, 128
V, R, P, TT = 100000, 1000000, 2048, 2
EPS = 1e-12


def setup_inputs(seed: int = 0) -> dict:
    key = jax.random.key(seed)
    ks = jax.random.split(key, 10)
    input_ids = jax.random.randint(ks[0], (B, S), 0, V)
    token_type_ids = jax.random.randint(ks[1], (B, S), 0, TT)
    reference_ids = jax.random.randint(ks[2], (B, S, T), 0, R)
    reference_weights = jax.random.uniform(ks[3], (B, S, T), dtype=jnp.float32)
    word_emb = jax.random.normal(ks[4], (V, H), dtype=jnp.float32) * 0.02
    word_emb = word_emb.at[0].set(0.0)  # padding_idx=0
    ref_emb = jax.random.normal(ks[5], (R, H), dtype=jnp.float32) * 0.02
    ref_emb = ref_emb.at[0].set(0.0)  # padding_idx=0
    pos_emb = jax.random.normal(ks[6], (P, H), dtype=jnp.float32) * 0.02
    type_emb = jax.random.normal(ks[7], (TT, H), dtype=jnp.float32) * 0.02
    ln_gamma = jnp.ones((H,), dtype=jnp.float32)
    ln_beta = jnp.zeros((H,), dtype=jnp.float32)
    return {
        "reference_weights": reference_weights,
        "word_emb": word_emb,
        "ref_emb": ref_emb,
        "pos_emb": pos_emb,
        "type_emb": type_emb,
        "ln_gamma": ln_gamma,
        "ln_beta": ln_beta,
        "input_ids": input_ids,
        "token_type_ids": token_type_ids,
        "reference_ids": reference_ids,
    }


def reference(reference_weights, word_emb, ref_emb, pos_emb, type_emb,
              ln_gamma, ln_beta, input_ids, token_type_ids, reference_ids):
    b, s = input_ids.shape
    position_ids = jnp.broadcast_to(jnp.arange(s, dtype=jnp.int32)[None, :], (b, s))
    inputs_embeds = jnp.take(word_emb, input_ids, axis=0)
    position_embeddings = jnp.take(pos_emb, position_ids, axis=0)
    token_type_embeddings = jnp.take(type_emb, token_type_ids, axis=0)
    # reference branch: gather [B,S,T,H], weight, sum over T
    ref_gathered = jnp.take(ref_emb, reference_ids, axis=0)
    reference_embeddings = jnp.sum(ref_gathered * reference_weights[..., None], axis=-2)
    embeddings = inputs_embeds + position_embeddings + token_type_embeddings + reference_embeddings
    mean = jnp.mean(embeddings, axis=-1, keepdims=True)
    var = jnp.var(embeddings, axis=-1, keepdims=True)
    normed = (embeddings - mean) / jnp.sqrt(var + EPS)
    out = ln_gamma * normed + ln_beta
    # dropout is identity in eval mode
    return out

if __name__ == "__main__":
    import jax
    _d = setup_inputs()
    print(jax.jit(kernel)(*tuple(_d.values())))

</pallas_src>

<mosaic_0001>
#map = affine_map<(d0, d1) -> (0, 0)>
#map1 = affine_map<(d0, d1) -> (0)>
module attributes {stable_mosaic.version = 14 : i64} {
  func.func @_body(%arg0: i32, %arg1: i32, %arg2: memref<2048x32xi32, #tpu.memory_space<hbm>>, %arg3: memref<65536xf32, #tpu.memory_space<hbm>>, %arg4: memref<8192xi32, #tpu.memory_space<hbm>>, %arg5: memref<8192xf32, #tpu.memory_space<hbm>>, %arg6: memref<100000x128xf32, #tpu.memory_space<hbm>>, %arg7: memref<1000000x128xf32, #tpu.memory_space<hbm>>, %arg8: memref<2048x128xf32, #tpu.memory_space<hbm>>, %arg9: memref<2x128xf32, #tpu.memory_space<hbm>>, %arg10: memref<128xf32, #tpu.memory_space<hbm>>, %arg11: memref<128xf32, #tpu.memory_space<hbm>>, %arg12: memref<8192x128xf32, #tpu.memory_space<hbm>>, %arg13: memref<8x32xi32, #tpu.memory_space<vmem>>, %arg14: memref<8x32xi32, #tpu.memory_space<vmem>>, %arg15: memref<256xf32, #tpu.memory_space<vmem>>, %arg16: memref<256xf32, #tpu.memory_space<vmem>>, %arg17: memref<32xi32, #tpu.memory_space<vmem>>, %arg18: memref<32xi32, #tpu.memory_space<vmem>>, %arg19: memref<32xf32, #tpu.memory_space<vmem>>, %arg20: memref<32xf32, #tpu.memory_space<vmem>>, %arg21: memref<256x128xf32, #tpu.memory_space<vmem>>, %arg22: memref<256x128xf32, #tpu.memory_space<vmem>>, %arg23: memref<32x128xf32, #tpu.memory_space<vmem>>, %arg24: memref<32x128xf32, #tpu.memory_space<vmem>>, %arg25: memref<32x128xf32, #tpu.memory_space<vmem>>, %arg26: memref<32x128xf32, #tpu.memory_space<vmem>>, %arg27: memref<32x128xf32, #tpu.memory_space<vmem>>, %arg28: memref<32x128xf32, #tpu.memory_space<vmem>>, %arg29: memref<2x128xf32, #tpu.memory_space<vmem>>, %arg30: memref<128xf32, #tpu.memory_space<vmem>>, %arg31: memref<128xf32, #tpu.memory_space<vmem>>, %arg32: memref<!tpu.dma_semaphore, #tpu.memory_space<semaphore_mem>>, %arg33: memref<!tpu.dma_semaphore, #tpu.memory_space<semaphore_mem>>, %arg34: memref<!tpu.dma_semaphore, #tpu.memory_space<semaphore_mem>>, %arg35: memref<!tpu.dma_semaphore, #tpu.memory_space<semaphore_mem>>, %arg36: memref<!tpu.dma_semaphore, #tpu.memory_space<semaphore_mem>>, %arg37: memref<!tpu.dma_semaphore, #tpu.memory_space<semaphore_mem>>) attributes {dimension_semantics = [#tpu.dimension_semantics<core_parallel>, #tpu.dimension_semantics<subcore_parallel>], iteration_bounds = array<i64: 2, 16>, scalar_prefetch = 0 : i64, scratch_operands = 25 : i64, tpu.core_type = #tpu.core_type<sc_vector_subcore>, window_params = [{transform_indices = #map}, {transform_indices = #map1}, {transform_indices = #map1}, {transform_indices = #map1}, {transform_indices = #map}, {transform_indices = #map}, {transform_indices = #map}, {transform_indices = #map}, {transform_indices = #map1}, {transform_indices = #map1}, {transform_indices = #map}]} {
    %mul3A = arith.constant 2 : i32
    %mul3A_0 = arith.muli %arg1, %mul3A : i32
    %add3A = arith.addi %mul3A_0, %arg0 : i32
    %mul3A_1 = arith.constant 256 : i32
    %mul3A_2 = arith.muli %add3A, %mul3A_1 : i32
    "tpu.region"() ({
      %run_scoped3A = tpu.sem_alloc : memref<!tpu.dma_semaphore, #tpu.memory_space<semaphore_mem>>
      tpu.enqueue_dma source(%arg9 : memref<2x128xf32, #tpu.memory_space<hbm>>) target(%arg29 : memref<2x128xf32, #tpu.memory_space<vmem>>) target_semaphore(%run_scoped3A : memref<!tpu.dma_semaphore, #tpu.memory_space<semaphore_mem>>)
      tpu.wait_dma2 semaphore(%run_scoped3A : memref<!tpu.dma_semaphore, #tpu.memory_space<semaphore_mem>>) src(%arg9 : memref<2x128xf32, #tpu.memory_space<hbm>>) dst(%arg29 : memref<2x128xf32, #tpu.memory_space<vmem>>)
      tpu.yield
    }) : () -> ()
    "tpu.region"() ({
      %run_scoped3A = tpu.sem_alloc : memref<!tpu.dma_semaphore, #tpu.memory_space<semaphore_mem>>
      tpu.enqueue_dma source(%arg10 : memref<128xf32, #tpu.memory_space<hbm>>) target(%arg30 : memref<128xf32, #tpu.memory_space<vmem>>) target_semaphore(%run_scoped3A : memref<!tpu.dma_semaphore, #tpu.memory_space<semaphore_mem>>)
      tpu.wait_dma2 semaphore(%run_scoped3A : memref<!tpu.dma_semaphore, #tpu.memory_space<semaphore_mem>>) src(%arg10 : memref<128xf32, #tpu.memory_space<hbm>>) dst(%arg30 : memref<128xf32, #tpu.memory_space<vmem>>)
      tpu.yield
    }) : () -> ()
    "tpu.region"() ({
      %run_scoped3A = tpu.sem_alloc : memref<!tpu.dma_semaphore, #tpu.memory_space<semaphore_mem>>
      tpu.enqueue_dma source(%arg11 : memref<128xf32, #tpu.memory_space<hbm>>) target(%arg31 : memref<128xf32, #tpu.memory_space<vmem>>) target_semaphore(%run_scoped3A : memref<!tpu.dma_semaphore, #tpu.memory_space<semaphore_mem>>)
      tpu.wait_dma2 semaphore(%run_scoped3A : memref<!tpu.dma_semaphore, #tpu.memory_space<semaphore_mem>>) src(%arg11 : memref<128xf32, #tpu.memory_space<hbm>>) dst(%arg31 : memref<128xf32, #tpu.memory_space<vmem>>)
      tpu.yield
    }) : () -> ()
    %add3A_3 = arith.constant 0 : i32
    %add3A_4 = arith.addi %mul3A_2, %add3A_3 : i32
    %jit3A = arith.constant 32 : i32
    %div3A = arith.divsi %add3A_4, %jit3A : i32
    %sign3A = arith.constant 0 : i32
    %sign3A_5 = arith.cmpi sgt, %add3A_4, %sign3A : i32
    %sign3A_6 = arith.extui %sign3A_5 : i1 to i32
    %sign3A_7 = arith.constant 0 : i32
    %sign3A_8 = arith.cmpi slt, %add3A_4, %sign3A_7 : i32
    %sign3A_9 = arith.extui %sign3A_8 : i1 to i32
    %sign3A_10 = arith.subi %sign3A_6, %sign3A_9 : i32
    %sign3A_11 = arith.constant 0 : i32
    %sign3A_12 = arith.cmpi sgt, %jit3A, %sign3A_11 : i32
    %sign3A_13 = arith.extui %sign3A_12 : i1 to i32
    %sign3A_14 = arith.constant 0 : i32
    %sign3A_15 = arith.cmpi slt, %jit3A, %sign3A_14 : i32
    %sign3A_16 = arith.extui %sign3A_15 : i1 to i32
    %sign3A_17 = arith.subi %sign3A_13, %sign3A_16 : i32
    %ne3A = arith.cmpi ne, %sign3A_10, %sign3A_17 : i32
    %rem3A = arith.remsi %add3A_4, %jit3A : i32
    %ne3A_18 = arith.constant 0 : i32
    %ne3A_19 = arith.cmpi ne, %rem3A, %ne3A_18 : i32
    %and3A = arith.andi %ne3A, %ne3A_19 : i1
    %sub3A = arith.constant 1 : i32
    %sub3A_20 = arith.subi %div3A, %sub3A : i32
    %select_n3A = arith.select %and3A, %sub3A_20, %div3A : i32
    %mul3A_21 = arith.constant 8 : i32
    %mul3A_22 = arith.muli %select_n3A, %mul3A_21 : i32
    %multiple_of3A = tpu.assume_multiple %mul3A_22, 8 : i32
    %mul3A_23 = arith.constant 8 : i32
    %mul3A_24 = arith.muli %add3A_4, %mul3A_23 : i32
    %multiple_of3A_25 = tpu.assume_multiple %mul3A_24, 8 : i32
    %multiple_of3A_26 = tpu.assume_multiple %add3A_4, 8 : i32
    %rem3A_27 = arith.constant 2048 : i32
    %rem3A_28 = arith.remsi %add3A_4, %rem3A_27 : i32
    %multiple_of3A_29 = tpu.assume_multiple %rem3A_28, 8 : i32
    %dma_start3A = arith.constant 0 : i32
    %dma_start3A_30 = tpu.memref_slice %arg2[%multiple_of3A, %dma_start3A] : memref<2048x32xi32, #tpu.memory_space<hbm>> -> memref<8x32xi32, #tpu.memory_space<hbm>>
    %dma_start3A_31 = arith.constant 0 : i32
    %dma_start3A_32 = tpu.memref_slice %arg2[%multiple_of3A, %dma_start3A_31] : memref<2048x32xi32, #tpu.memory_space<hbm>> -> memref<8x32xi32, #tpu.memory_space<hbm>>
    tpu.enqueue_dma source(%dma_start3A_32 : memref<8x32xi32, #tpu.memory_space<hbm>>) target(%arg13 : memref<8x32xi32, #tpu.memory_space<vmem>>) target_semaphore(%arg32 : memref<!tpu.dma_semaphore, #tpu.memory_space<semaphore_mem>>)
    %dma_start3A_33 = tpu.memref_slice %arg3[%multiple_of3A_25] : memref<65536xf32, #tpu.memory_space<hbm>> -> memref<256xf32, #tpu.memory_space<hbm>>
    %dma_start3A_34 = tpu.memref_slice %arg3[%multiple_of3A_25] : memref<65536xf32, #tpu.memory_space<hbm>> -> memref<256xf32, #tpu.memory_space<hbm>>
    tpu.enqueue_dma source(%dma_start3A_34 : memref<256xf32, #tpu.memory_space<hbm>>) target(%arg15 : memref<256xf32, #tpu.memory_space<vmem>>) target_semaphore(%arg32 : memref<!tpu.dma_semaphore, #tpu.memory_space<semaphore_mem>>)
    %dma_start3A_35 = tpu.memref_slice %arg4[%multiple_of3A_26] : memref<8192xi32, #tpu.memory_space<hbm>> -> memref<32xi32, #tpu.memory_space<hbm>>
    %dma_start3A_36 = tpu.memref_slice %arg4[%multiple_of3A_26] : memref<8192xi32, #tpu.memory_space<hbm>> -> memref<32xi32, #tpu.memory_space<hbm>>
    tpu.enqueue_dma source(%dma_start3A_36 : memref<32xi32, #tpu.memory_space<hbm>>) target(%arg17 : memref<32xi32, #tpu.memory_space<vmem>>) target_semaphore(%arg32 : memref<!tpu.dma_semaphore, #tpu.memory_space<semaphore_mem>>)
    %dma_start3A_37 = tpu.memref_slice %arg5[%multiple_of3A_26] : memref<8192xf32, #tpu.memory_space<hbm>> -> memref<32xf32, #tpu.memory_space<hbm>>
    %dma_start3A_38 = tpu.memref_slice %arg5[%multiple_of3A_26] : memref<8192xf32, #tpu.memory_space<hbm>> -> memref<32xf32, #tpu.memory_space<hbm>>
    tpu.enqueue_dma source(%dma_start3A_38 : memref<32xf32, #tpu.memory_space<hbm>>) target(%arg19 : memref<32xf32, #tpu.memory_space<vmem>>) target_semaphore(%arg32 : memref<!tpu.dma_semaphore, #tpu.memory_space<semaphore_mem>>)
    %dma_start3A_39 = arith.constant 0 : i32
    %dma_start3A_40 = tpu.memref_slice %arg8[%multiple_of3A_29, %dma_start3A_39] : memref<2048x128xf32, #tpu.memory_space<hbm>> -> memref<32x128xf32, #tpu.memory_space<hbm>>
    %dma_start3A_41 = arith.constant 0 : i32
    %dma_start3A_42 = tpu.memref_slice %arg8[%multiple_of3A_29, %dma_start3A_41] : memref<2048x128xf32, #tpu.memory_space<hbm>> -> memref<32x128xf32, #tpu.memory_space<hbm>>
    tpu.enqueue_dma source(%dma_start3A_42 : memref<32x128xf32, #tpu.memory_space<hbm>>) target(%arg25 : memref<32x128xf32, #tpu.memory_space<vmem>>) target_semaphore(%arg32 : memref<!tpu.dma_semaphore, #tpu.memory_space<semaphore_mem>>)
    %dma_wait3A = arith.constant 0 : i32
    %dma_wait3A_43 = tpu.memref_slice %arg2[%multiple_of3A, %dma_wait3A] : memref<2048x32xi32, #tpu.memory_space<hbm>> -> memref<8x32xi32, #tpu.memory_space<hbm>>
    %dma_wait3A_44 = arith.constant 0 : i32
    %dma_wait3A_45 = tpu.memref_slice %arg2[%multiple_of3A, %dma_wait3A_44] : memref<2048x32xi32, #tpu.memory_space<hbm>> -> memref<8x32xi32, #tpu.memory_space<hbm>>
    tpu.wait_dma2 semaphore(%arg32 : memref<!tpu.dma_semaphore, #tpu.memory_space<semaphore_mem>>) src(%dma_wait3A_45 : memref<8x32xi32, #tpu.memory_space<hbm>>) dst(%arg13 : memref<8x32xi32, #tpu.memory_space<vmem>>)
    %dma_wait3A_46 = tpu.memref_slice %arg3[%multiple_of3A_25] : memref<65536xf32, #tpu.memory_space<hbm>> -> memref<256xf32, #tpu.memory_space<hbm>>
    %dma_wait3A_47 = tpu.memref_slice %arg3[%multiple_of3A_25] : memref<65536xf32, #tpu.memory_space<hbm>> -> memref<256xf32, #tpu.memory_space<hbm>>
    tpu.wait_dma2 semaphore(%arg32 : memref<!tpu.dma_semaphore, #tpu.memory_space<semaphore_mem>>) src(%dma_wait3A_47 : memref<256xf32, #tpu.memory_space<hbm>>) dst(%arg15 : memref<256xf32, #tpu.memory_space<vmem>>)
    %dma_wait3A_48 = tpu.memref_slice %arg4[%multiple_of3A_26] : memref<8192xi32, #tpu.memory_space<hbm>> -> memref<32xi32, #tpu.memory_space<hbm>>
    %dma_wait3A_49 = tpu.memref_slice %arg4[%multiple_of3A_26] : memref<8192xi32, #tpu.memory_space<hbm>> -> memref<32xi32, #tpu.memory_space<hbm>>
    tpu.wait_dma2 semaphore(%arg32 : memref<!tpu.dma_semaphore, #tpu.memory_space<semaphore_mem>>) src(%dma_wait3A_49 : memref<32xi32, #tpu.memory_space<hbm>>) dst(%arg17 : memref<32xi32, #tpu.memory_space<vmem>>)
    %dma_wait3A_50 = tpu.memref_slice %arg5[%multiple_of3A_26] : memref<8192xf32, #tpu.memory_space<hbm>> -> memref<32xf32, #tpu.memory_space<hbm>>
    %dma_wait3A_51 = tpu.memref_slice %arg5[%multiple_of3A_26] : memref<8192xf32, #tpu.memory_space<hbm>> -> memref<32xf32, #tpu.memory_space<hbm>>
    tpu.wait_dma2 semaphore(%arg32 : memref<!tpu.dma_semaphore, #tpu.memory_space<semaphore_mem>>) src(%dma_wait3A_51 : memref<32xf32, #tpu.memory_space<hbm>>) dst(%arg19 : memref<32xf32, #tpu.memory_space<vmem>>)
    %dma_wait3A_52 = arith.constant 0 : i32
    %dma_wait3A_53 = tpu.memref_slice %arg8[%multiple_of3A_29, %dma_wait3A_52] : memref<2048x128xf32, #tpu.memory_space<hbm>> -> memref<32x128xf32, #tpu.memory_space<hbm>>
    %dma_wait3A_54 = arith.constant 0 : i32
    %dma_wait3A_55 = tpu.memref_slice %arg8[%multiple_of3A_29, %dma_wait3A_54] : memref<2048x128xf32, #tpu.memory_space<hbm>> -> memref<32x128xf32, #tpu.memory_space<hbm>>
    tpu.wait_dma2 semaphore(%arg32 : memref<!tpu.dma_semaphore, #tpu.memory_space<semaphore_mem>>) src(%dma_wait3A_55 : memref<32x128xf32, #tpu.memory_space<hbm>>) dst(%arg25 : memref<32x128xf32, #tpu.memory_space<vmem>>)
    %dma_start3A_56 = arith.constant 0 : i32
    %dma_start3A_57 = arith.constant 0 : i32
    %dma_start3A_58 = tpu.memref_slice %arg6[%dma_start3A_56, %dma_start3A_57] : memref<100000x128xf32, #tpu.memory_space<hbm>> -> memref<100000x128xf32, #tpu.memory_space<hbm>>
    tpu.enqueue_indirect_dma source(%dma_start3A_58 : memref<100000x128xf32, #tpu.memory_space<hbm>>) target(%arg23 : memref<32x128xf32, #tpu.memory_space<vmem>>) offsets(%arg17 : memref<32xi32, #tpu.memory_space<vmem>>) semaphore(%arg34 : memref<!tpu.dma_semaphore, #tpu.memory_space<semaphore_mem>>)
    %dma_start3A_59 = arith.constant 0 : i32
    %dma_start3A_60 = arith.constant 0 : i32
    %dma_start3A_61 = arith.constant 0 : i32
    %dma_start3A_62 = tpu.memref_slice %arg21[%dma_start3A_60, %dma_start3A_61] : memref<256x128xf32, #tpu.memory_space<vmem>> -> memref<32x128xf32, #tpu.memory_space<vmem>>
    %dma_start3A_63 = arith.constant 0 : i32
    %dma_start3A_64 = tpu.memref_slice %arg13[%dma_start3A_59, %dma_start3A_63] : memref<8x32xi32, #tpu.memory_space<vmem>> -> memref<1x32xi32, #tpu.memory_space<vmem>>
    %dma_start3A_65 = tpu.memref_squeeze %dma_start3A_64 : memref<1x32xi32, #tpu.memory_space<vmem>> -> memref<32xi32, #tpu.memory_space<vmem>>
    %dma_start3A_66 = arith.constant 0 : i32
    %dma_start3A_67 = arith.constant 0 : i32
    %dma_start3A_68 = tpu.memref_slice %arg7[%dma_start3A_66, %dma_start3A_67] : memref<1000000x128xf32, #tpu.memory_space<hbm>> -> memref<1000000x128xf32, #tpu.memory_space<hbm>>
    tpu.enqueue_indirect_dma source(%dma_start3A_68 : memref<1000000x128xf32, #tpu.memory_space<hbm>>) target(%dma_start3A_62 : memref<32x128xf32, #tpu.memory_space<vmem>>) offsets(%dma_start3A_65 : memref<32xi32, #tpu.memory_space<vmem>>) semaphore(%arg34 : memref<!tpu.dma_semaphore, #tpu.memory_space<semaphore_mem>>)
    %dma_start3A_69 = arith.constant 1 : i32
    %dma_start3A_70 = arith.constant 32 : i32
    %dma_start3A_71 = arith.constant 0 : i32
    %dma_start3A_72 = tpu.memref_slice %arg21[%dma_start3A_70, %dma_start3A_71] : memref<256x128xf32, #tpu.memory_space<vmem>> -> memref<32x128xf32, #tpu.memory_space<vmem>>
    %dma_start3A_73 = arith.constant 0 : i32
    %dma_start3A_74 = tpu.memref_slice %arg13[%dma_start3A_69, %dma_start3A_73] : memref<8x32xi32, #tpu.memory_space<vmem>> -> memref<1x32xi32, #tpu.memory_space<vmem>>
    %dma_start3A_75 = tpu.memref_squeeze %dma_start3A_74 : memref<1x32xi32, #tpu.memory_space<vmem>> -> memref<32xi32, #tpu.memory_space<vmem>>
    %dma_start3A_76 = arith.constant 0 : i32
    %dma_start3A_77 = arith.constant 0 : i32
    %dma_start3A_78 = tpu.memref_slice %arg7[%dma_start3A_76, %dma_start3A_77] : memref<1000000x128xf32, #tpu.memory_space<hbm>> -> memref<1000000x128xf32, #tpu.memory_space<hbm>>
    tpu.enqueue_indirect_dma source(%dma_start3A_78 : memref<1000000x128xf32, #tpu.memory_space<hbm>>) target(%dma_start3A_72 : memref<32x128xf32, #tpu.memory_space<vmem>>) offsets(%dma_start3A_75 : memref<32xi32, #tpu.memory_space<vmem>>) semaphore(%arg34 : memref<!tpu.dma_semaphore, #tpu.memory_space<semaphore_mem>>)
    %dma_start3A_79 = arith.constant 2 : i32
    %dma_start3A_80 = arith.constant 64 : i32
    %dma_start3A_81 = arith.constant 0 : i32
    %dma_start3A_82 = tpu.memref_slice %arg21[%dma_start3A_80, %dma_start3A_81] : memref<256x128xf32, #tpu.memory_space<vmem>> -> memref<32x128xf32, #tpu.memory_space<vmem>>
    %dma_start3A_83 = arith.constant 0 : i32
    %dma_start3A_84 = tpu.memref_slice %arg13[%dma_start3A_79, %dma_start3A_83] : memref<8x32xi32, #tpu.memory_space<vmem>> -> memref<1x32xi32, #tpu.memory_space<vmem>>
    %dma_start3A_85 = tpu.memref_squeeze %dma_start3A_84 : memref<1x32xi32, #tpu.memory_space<vmem>> -> memref<32xi32, #tpu.memory_space<vmem>>
    %dma_start3A_86 = arith.constant 0 : i32
    %dma_start3A_87 = arith.constant 0 : i32
    %dma_start3A_88 = tpu.memref_slice %arg7[%dma_start3A_86, %dma_start3A_87] : memref<1000000x128xf32, #tpu.memory_space<hbm>> -> memref<1000000x128xf32, #tpu.memory_space<hbm>>
    tpu.enqueue_indirect_dma source(%dma_start3A_88 : memref<1000000x128xf32, #tpu.memory_space<hbm>>) target(%dma_start3A_82 : memref<32x128xf32, #tpu.memory_space<vmem>>) offsets(%dma_start3A_85 : memref<32xi32, #tpu.memory_space<vmem>>) semaphore(%arg34 : memref<!tpu.dma_semaphore, #tpu.memory_space<semaphore_mem>>)
    %dma_start3A_89 = arith.constant 3 : i32
    %dma_start3A_90 = arith.constant 96 : i32
    %dma_start3A_91 = arith.constant 0 : i32
    %dma_start3A_92 = tpu.memref_slice %arg21[%dma_start3A_90, %dma_start3A_91] : memref<256x128xf32, #tpu.memory_space<vmem>> -> memref<32x128xf32, #tpu.memory_space<vmem>>
    %dma_start3A_93 = arith.constant 0 : i32
    %dma_start3A_94 = tpu.memref_slice %arg13[%dma_start3A_89, %dma_start3A_93] : memref<8x32xi32, #tpu.memory_space<vmem>> -> memref<1x32xi32, #tpu.memory_space<vmem>>
    %dma_start3A_95 = tpu.memref_squeeze %dma_start3A_94 : memref<1x32xi32, #tpu.memory_space<vmem>> -> memref<32xi32, #tpu.memory_space<vmem>>
    %dma_start3A_96 = arith.constant 0 : i32
    %dma_start3A_97 = arith.constant 0 : i32
    %dma_start3A_98 = tpu.memref_slice %arg7[%dma_start3A_96, %dma_start3A_97] : memref<1000000x128xf32, #tpu.memory_space<hbm>> -> memref<1000000x128xf32, #tpu.memory_space<hbm>>
    tpu.enqueue_indirect_dma source(%dma_start3A_98 : memref<1000000x128xf32, #tpu.memory_space<hbm>>) target(%dma_start3A_92 : memref<32x128xf32, #tpu.memory_space<vmem>>) offsets(%dma_start3A_95 : memref<32xi32, #tpu.memory_space<vmem>>) semaphore(%arg34 : memref<!tpu.dma_semaphore, #tpu.memory_space<semaphore_mem>>)
    %dma_start3A_99 = arith.constant 4 : i32
    %dma_start3A_100 = arith.constant 128 : i32
    %dma_start3A_101 = arith.constant 0 : i32
    %dma_start3A_102 = tpu.memref_slice %arg21[%dma_start3A_100, %dma_start3A_101] : memref<256x128xf32, #tpu.memory_space<vmem>> -> memref<32x128xf32, #tpu.memory_space<vmem>>
    %dma_start3A_103 = arith.constant 0 : i32
    %dma_start3A_104 = tpu.memref_slice %arg13[%dma_start3A_99, %dma_start3A_103] : memref<8x32xi32, #tpu.memory_space<vmem>> -> memref<1x32xi32, #tpu.memory_space<vmem>>
    %dma_start3A_105 = tpu.memref_squeeze %dma_start3A_104 : memref<1x32xi32, #tpu.memory_space<vmem>> -> memref<32xi32, #tpu.memory_space<vmem>>
    %dma_start3A_106 = arith.constant 0 : i32
    %dma_start3A_107 = arith.constant 0 : i32
    %dma_start3A_108 = tpu.memref_slice %arg7[%dma_start3A_106, %dma_start3A_107] : memref<1000000x128xf32, #tpu.memory_space<hbm>> -> memref<1000000x128xf32, #tpu.memory_space<hbm>>
    tpu.enqueue_indirect_dma source(%dma_start3A_108 : memref<1000000x128xf32, #tpu.memory_space<hbm>>) target(%dma_start3A_102 : memref<32x128xf32, #tpu.memory_space<vmem>>) offsets(%dma_start3A_105 : memref<32xi32, #tpu.memory_space<vmem>>) semaphore(%arg34 : memref<!tpu.dma_semaphore, #tpu.memory_space<semaphore_mem>>)
    %dma_start3A_109 = arith.constant 5 : i32
    %dma_start3A_110 = arith.constant 160 : i32
    %dma_start3A_111 = arith.constant 0 : i32
    %dma_start3A_112 = tpu.memref_slice %arg21[%dma_start3A_110, %dma_start3A_111] : memref<256x128xf32, #tpu.memory_space<vmem>> -> memref<32x128xf32, #tpu.memory_space<vmem>>
    %dma_start3A_113 = arith.constant 0 : i32
    %dma_start3A_114 = tpu.memref_slice %arg13[%dma_start3A_109, %dma_start3A_113] : memref<8x32xi32, #tpu.memory_space<vmem>> -> memref<1x32xi32, #tpu.memory_space<vmem>>
    %dma_start3A_115 = tpu.memref_squeeze %dma_start3A_114 : memref<1x32xi32, #tpu.memory_space<vmem>> -> memref<32xi32, #tpu.memory_space<vmem>>
    %dma_start3A_116 = arith.constant 0 : i32
    %dma_start3A_117 = arith.constant 0 : i32
    %dma_start3A_118 = tpu.memref_slice %arg7[%dma_start3A_116, %dma_start3A_117] : memref<1000000x128xf32, #tpu.memory_space<hbm>> -> memref<1000000x128xf32, #tpu.memory_space<hbm>>
    tpu.enqueue_indirect_dma source(%dma_start3A_118 : memref<1000000x128xf32, #tpu.memory_space<hbm>>) target(%dma_start3A_112 : memref<32x128xf32, #tpu.memory_space<vmem>>) offsets(%dma_start3A_115 : memref<32xi32, #tpu.memory_space<vmem>>) semaphore(%arg34 : memref<!tpu.dma_semaphore, #tpu.memory_space<semaphore_mem>>)
    %dma_start3A_119 = arith.constant 6 : i32
    %dma_start3A_120 = arith.constant 192 : i32
    %dma_start3A_121 = arith.constant 0 : i32
    %dma_start3A_122 = tpu.memref_slice %arg21[%dma_start3A_120, %dma_start3A_121] : memref<256x128xf32, #tpu.memory_space<vmem>> -> memref<32x128xf32, #tpu.memory_space<vmem>>
    %dma_start3A_123 = arith.constant 0 : i32
    %dma_start3A_124 = tpu.memref_slice %arg13[%dma_start3A_119, %dma_start3A_123] : memref<8x32xi32, #tpu.memory_space<vmem>> -> memref<1x32xi32, #tpu.memory_space<vmem>>
    %dma_start3A_125 = tpu.memref_squeeze %dma_start3A_124 : memref<1x32xi32, #tpu.memory_space<vmem>> -> memref<32xi32, #tpu.memory_space<vmem>>
    %dma_start3A_126 = arith.constant 0 : i32
    %dma_start3A_127 = arith.constant 0 : i32
    %dma_start3A_128 = tpu.memref_slice %arg7[%dma_start3A_126, %dma_start3A_127] : memref<1000000x128xf32, #tpu.memory_space<hbm>> -> memref<1000000x128xf32, #tpu.memory_space<hbm>>
    tpu.enqueue_indirect_dma source(%dma_start3A_128 : memref<1000000x128xf32, #tpu.memory_space<hbm>>) target(%dma_start3A_122 : memref<32x128xf32, #tpu.memory_space<vmem>>) offsets(%dma_start3A_125 : memref<32xi32, #tpu.memory_space<vmem>>) semaphore(%arg34 : memref<!tpu.dma_semaphore, #tpu.memory_space<semaphore_mem>>)
    %dma_start3A_129 = arith.constant 7 : i32
    %dma_start3A_130 = arith.constant 224 : i32
    %dma_start3A_131 = arith.constant 0 : i32
    %dma_start3A_132 = tpu.memref_slice %arg21[%dma_start3A_130, %dma_start3A_131] : memref<256x128xf32, #tpu.memory_space<vmem>> -> memref<32x128xf32, #tpu.memory_space<vmem>>
    %dma_start3A_133 = arith.constant 0 : i32
    %dma_start3A_134 = tpu.memref_slice %arg13[%dma_start3A_129, %dma_start3A_133] : memref<8x32xi32, #tpu.memory_space<vmem>> -> memref<1x32xi32, #tpu.memory_space<vmem>>
    %dma_start3A_135 = tpu.memref_squeeze %dma_start3A_134 : memref<1x32xi32, #tpu.memory_space<vmem>> -> memref<32xi32, #tpu.memory_space<vmem>>
    %dma_start3A_136 = arith.constant 0 : i32
    %dma_start3A_137 = arith.constant 0 : i32
    %dma_start3A_138 = tpu.memref_slice %arg7[%dma_start3A_136, %dma_start3A_137] : memref<1000000x128xf32, #tpu.memory_space<hbm>> -> memref<1000000x128xf32, #tpu.memory_space<hbm>>
    tpu.enqueue_indirect_dma source(%dma_start3A_138 : memref<1000000x128xf32, #tpu.memory_space<hbm>>) target(%dma_start3A_132 : memref<32x128xf32, #tpu.memory_space<vmem>>) offsets(%dma_start3A_135 : memref<32xi32, #tpu.memory_space<vmem>>) semaphore(%arg34 : memref<!tpu.dma_semaphore, #tpu.memory_space<semaphore_mem>>)
    %add3A_139 = arith.constant 32 : i32
    %add3A_140 = arith.addi %mul3A_2, %add3A_139 : i32
    %jit3A_141 = arith.constant 32 : i32
    %div3A_142 = arith.divsi %add3A_140, %jit3A_141 : i32
    %sign3A_143 = arith.constant 0 : i32
    %sign3A_144 = arith.cmpi sgt, %add3A_140, %sign3A_143 : i32
    %sign3A_145 = arith.extui %sign3A_144 : i1 to i32
    %sign3A_146 = arith.constant 0 : i32
    %sign3A_147 = arith.cmpi slt, %add3A_140, %sign3A_146 : i32
    %sign3A_148 = arith.extui %sign3A_147 : i1 to i32
    %sign3A_149 = arith.subi %sign3A_145, %sign3A_148 : i32
    %sign3A_150 = arith.constant 0 : i32
    %sign3A_151 = arith.cmpi sgt, %jit3A_141, %sign3A_150 : i32
    %sign3A_152 = arith.extui %sign3A_151 : i1 to i32
    %sign3A_153 = arith.constant 0 : i32
    %sign3A_154 = arith.cmpi slt, %jit3A_141, %sign3A_153 : i32
    %sign3A_155 = arith.extui %sign3A_154 : i1 to i32
    %sign3A_156 = arith.subi %sign3A_152, %sign3A_155 : i32
    %ne3A_157 = arith.cmpi ne, %sign3A_149, %sign3A_156 : i32
    %rem3A_158 = arith.remsi %add3A_140, %jit3A_141 : i32
    %ne3A_159 = arith.constant 0 : i32
    %ne3A_160 = arith.cmpi ne, %rem3A_158, %ne3A_159 : i32
    %and3A_161 = arith.andi %ne3A_157, %ne3A_160 : i1
    %sub3A_162 = arith.constant 1 : i32
    %sub3A_163 = arith.subi %div3A_142, %sub3A_162 : i32
    %select_n3A_164 = arith.select %and3A_161, %sub3A_163, %div3A_142 : i32
    %mul3A_165 = arith.constant 8 : i32
    %mul3A_166 = arith.muli %select_n3A_164, %mul3A_165 : i32
    %multiple_of3A_167 = tpu.assume_multiple %mul3A_166, 8 : i32
    %mul3A_168 = arith.constant 8 : i32
    %mul3A_169 = arith.muli %add3A_140, %mul3A_168 : i32
    %multiple_of3A_170 = tpu.assume_multiple %mul3A_169, 8 : i32
    %multiple_of3A_171 = tpu.assume_multiple %add3A_140, 8 : i32
    %rem3A_172 = arith.constant 2048 : i32
    %rem3A_173 = arith.remsi %add3A_140, %rem3A_172 : i32
    %multiple_of3A_174 = tpu.assume_multiple %rem3A_173, 8 : i32
    %dma_start3A_175 = arith.constant 0 : i32
    %dma_start3A_176 = tpu.memref_slice %arg2[%multiple_of3A_167, %dma_start3A_175] : memref<2048x32xi32, #tpu.memory_space<hbm>> -> memref<8x32xi32, #tpu.memory_space<hbm>>
    %dma_start3A_177 = arith.constant 0 : i32
    %dma_start3A_178 = tpu.memref_slice %arg2[%multiple_of3A_167, %dma_start3A_177] : memref<2048x32xi32, #tpu.memory_space<hbm>> -> memref<8x32xi32, #tpu.memory_space<hbm>>
    tpu.enqueue_dma source(%dma_start3A_178 : memref<8x32xi32, #tpu.memory_space<hbm>>) target(%arg14 : memref<8x32xi32, #tpu.memory_space<vmem>>) target_semaphore(%arg33 : memref<!tpu.dma_semaphore, #tpu.memory_space<semaphore_mem>>)
    %dma_start3A_179 = tpu.memref_slice %arg3[%multiple_of3A_170] : memref<65536xf32, #tpu.memory_space<hbm>> -> memref<256xf32, #tpu.memory_space<hbm>>
    %dma_start3A_180 = tpu.memref_slice %arg3[%multiple_of3A_170] : memref<65536xf32, #tpu.memory_space<hbm>> -> memref<256xf32, #tpu.memory_space<hbm>>
    tpu.enqueue_dma source(%dma_start3A_180 : memref<256xf32, #tpu.memory_space<hbm>>) target(%arg16 : memref<256xf32, #tpu.memory_space<vmem>>) target_semaphore(%arg33 : memref<!tpu.dma_semaphore, #tpu.memory_space<semaphore_mem>>)
    %dma_start3A_181 = tpu.memref_slice %arg4[%multiple_of3A_171] : memref<8192xi32, #tpu.memory_space<hbm>> -> memref<32xi32, #tpu.memory_space<hbm>>
    %dma_start3A_182 = tpu.memref_slice %arg4[%multiple_of3A_171] : memref<8192xi32, #tpu.memory_space<hbm>> -> memref<32xi32, #tpu.memory_space<hbm>>
    tpu.enqueue_dma source(%dma_start3A_182 : memref<32xi32, #tpu.memory_space<hbm>>) target(%arg18 : memref<32xi32, #tpu.memory_space<vmem>>) target_semaphore(%arg33 : memref<!tpu.dma_semaphore, #tpu.memory_space<semaphore_mem>>)
    %dma_start3A_183 = tpu.memref_slice %arg5[%multiple_of3A_171] : memref<8192xf32, #tpu.memory_space<hbm>> -> memref<32xf32, #tpu.memory_space<hbm>>
    %dma_start3A_184 = tpu.memref_slice %arg5[%multiple_of3A_171] : memref<8192xf32, #tpu.memory_space<hbm>> -> memref<32xf32, #tpu.memory_space<hbm>>
    tpu.enqueue_dma source(%dma_start3A_184 : memref<32xf32, #tpu.memory_space<hbm>>) target(%arg20 : memref<32xf32, #tpu.memory_space<vmem>>) target_semaphore(%arg33 : memref<!tpu.dma_semaphore, #tpu.memory_space<semaphore_mem>>)
    %dma_start3A_185 = arith.constant 0 : i32
    %dma_start3A_186 = tpu.memref_slice %arg8[%multiple_of3A_174, %dma_start3A_185] : memref<2048x128xf32, #tpu.memory_space<hbm>> -> memref<32x128xf32, #tpu.memory_space<hbm>>
    %dma_start3A_187 = arith.constant 0 : i32
    %dma_start3A_188 = tpu.memref_slice %arg8[%multiple_of3A_174, %dma_start3A_187] : memref<2048x128xf32, #tpu.memory_space<hbm>> -> memref<32x128xf32, #tpu.memory_space<hbm>>
    tpu.enqueue_dma source(%dma_start3A_188 : memref<32x128xf32, #tpu.memory_space<hbm>>) target(%arg26 : memref<32x128xf32, #tpu.memory_space<vmem>>) target_semaphore(%arg33 : memref<!tpu.dma_semaphore, #tpu.memory_space<semaphore_mem>>)
    %scan3A = arith.constant 0 : i32
    %scan3A_189 = arith.constant 0 : i32
    %scan3A_190 = arith.constant 4 : i32
    %scan3A_191 = arith.addi %scan3A_189, %scan3A_190 : i32
    %scan3A_192 = arith.constant 1 : i32
    scf.for %scan3A_206 = %scan3A_189 to %scan3A_191 step %scan3A_192  : i32 {
      %mul3A_207 = arith.constant 2 : i32
      %mul3A_208 = arith.muli %mul3A_207, %scan3A_206 : i32
      %dma_wait3A_209 = arith.constant 0 : i32
      %dma_wait3A_210 = arith.constant 0 : i32
      %dma_wait3A_211 = tpu.memref_slice %arg2[%dma_wait3A_209, %dma_wait3A_210] : memref<2048x32xi32, #tpu.memory_space<hbm>> -> memref<8x32xi32, #tpu.memory_space<hbm>>
      %dma_wait3A_212 = arith.constant 0 : i32
      %dma_wait3A_213 = arith.constant 0 : i32
      %dma_wait3A_214 = tpu.memref_slice %arg2[%dma_wait3A_212, %dma_wait3A_213] : memref<2048x32xi32, #tpu.memory_space<hbm>> -> memref<8x32xi32, #tpu.memory_space<hbm>>
      tpu.wait_dma2 semaphore(%arg33 : memref<!tpu.dma_semaphore, #tpu.memory_space<semaphore_mem>>) src(%dma_wait3A_214 : memref<8x32xi32, #tpu.memory_space<hbm>>) dst(%arg14 : memref<8x32xi32, #tpu.memory_space<vmem>>)
      %dma_wait3A_215 = arith.constant 0 : i32
      %dma_wait3A_216 = tpu.memref_slice %arg3[%dma_wait3A_215] : memref<65536xf32, #tpu.memory_space<hbm>> -> memref<256xf32, #tpu.memory_space<hbm>>
      %dma_wait3A_217 = arith.constant 0 : i32
      %dma_wait3A_218 = tpu.memref_slice %arg3[%dma_wait3A_217] : memref<65536xf32, #tpu.memory_space<hbm>> -> memref<256xf32, #tpu.memory_space<hbm>>
      tpu.wait_dma2 semaphore(%arg33 : memref<!tpu.dma_semaphore, #tpu.memory_space<semaphore_mem>>) src(%dma_wait3A_218 : memref<256xf32, #tpu.memory_space<hbm>>) dst(%arg16 : memref<256xf32, #tpu.memory_space<vmem>>)
      %dma_wait3A_219 = arith.constant 0 : i32
      %dma_wait3A_220 = tpu.memref_slice %arg4[%dma_wait3A_219] : memref<8192xi32, #tpu.memory_space<hbm>> -> memref<32xi32, #tpu.memory_space<hbm>>
      %dma_wait3A_221 = arith.constant 0 : i32
      %dma_wait3A_222 = tpu.memref_slice %arg4[%dma_wait3A_221] : memref<8192xi32, #tpu.memory_space<hbm>> -> memref<32xi32, #tpu.memory_space<hbm>>
      tpu.wait_dma2 semaphore(%arg33 : memref<!tpu.dma_semaphore, #tpu.memory_space<semaphore_mem>>) src(%dma_wait3A_222 : memref<32xi32, #tpu.memory_space<hbm>>) dst(%arg18 : memref<32xi32, #tpu.memory_space<vmem>>)
      %dma_wait3A_223 = arith.constant 0 : i32
      %dma_wait3A_224 = tpu.memref_slice %arg5[%dma_wait3A_223] : memref<8192xf32, #tpu.memory_space<hbm>> -> memref<32xf32, #tpu.memory_space<hbm>>
      %dma_wait3A_225 = arith.constant 0 : i32
      %dma_wait3A_226 = tpu.memref_slice %arg5[%dma_wait3A_225] : memref<8192xf32, #tpu.memory_space<hbm>> -> memref<32xf32, #tpu.memory_space<hbm>>
      tpu.wait_dma2 semaphore(%arg33 : memref<!tpu.dma_semaphore, #tpu.memory_space<semaphore_mem>>) src(%dma_wait3A_226 : memref<32xf32, #tpu.memory_space<hbm>>) dst(%arg20 : memref<32xf32, #tpu.memory_space<vmem>>)
      %dma_wait3A_227 = arith.constant 0 : i32
      %dma_wait3A_228 = arith.constant 0 : i32
      %dma_wait3A_229 = tpu.memref_slice %arg8[%dma_wait3A_227, %dma_wait3A_228] : memref<2048x128xf32, #tpu.memory_space<hbm>> -> memref<32x128xf32, #tpu.memory_space<hbm>>
      %dma_wait3A_230 = arith.constant 0 : i32
      %dma_wait3A_231 = arith.constant 0 : i32
      %dma_wait3A_232 = tpu.memref_slice %arg8[%dma_wait3A_230, %dma_wait3A_231] : memref<2048x128xf32, #tpu.memory_space<hbm>> -> memref<32x128xf32, #tpu.memory_space<hbm>>
      tpu.wait_dma2 semaphore(%arg33 : memref<!tpu.dma_semaphore, #tpu.memory_space<semaphore_mem>>) src(%dma_wait3A_232 : memref<32x128xf32, #tpu.memory_space<hbm>>) dst(%arg26 : memref<32x128xf32, #tpu.memory_space<vmem>>)
      %dma_start3A_233 = arith.constant 0 : i32
      %dma_start3A_234 = arith.constant 0 : i32
      %dma_start3A_235 = tpu.memref_slice %arg6[%dma_start3A_233, %dma_start3A_234] : memref<100000x128xf32, #tpu.memory_space<hbm>> -> memref<100000x128xf32, #tpu.memory_space<hbm>>
      tpu.enqueue_indirect_dma source(%dma_start3A_235 : memref<100000x128xf32, #tpu.memory_space<hbm>>) target(%arg24 : memref<32x128xf32, #tpu.memory_space<vmem>>) offsets(%arg18 : memref<32xi32, #tpu.memory_space<vmem>>) semaphore(%arg35 : memref<!tpu.dma_semaphore, #tpu.memory_space<semaphore_mem>>)
      %dma_start3A_236 = arith.constant 0 : i32
      %dma_start3A_237 = arith.constant 0 : i32
      %dma_start3A_238 = arith.constant 0 : i32
      %dma_start3A_239 = tpu.memref_slice %arg22[%dma_start3A_237, %dma_start3A_238] : memref<256x128xf32, #tpu.memory_space<vmem>> -> memref<32x128xf32, #tpu.memory_space<vmem>>
      %dma_start3A_240 = arith.constant 0 : i32
      %dma_start3A_241 = tpu.memref_slice %arg14[%dma_start3A_236, %dma_start3A_240] : memref<8x32xi32, #tpu.memory_space<vmem>> -> memref<1x32xi32, #tpu.memory_space<vmem>>
      %dma_start3A_242 = tpu.memref_squeeze %dma_start3A_241 : memref<1x32xi32, #tpu.memory_space<vmem>> -> memref<32xi32, #tpu.memory_space<vmem>>
      %dma_start3A_243 = arith.constant 0 : i32
      %dma_start3A_244 = arith.constant 0 : i32
      %dma_start3A_245 = tpu.memref_slice %arg7[%dma_start3A_243, %dma_start3A_244] : memref<1000000x128xf32, #tpu.memory_space<hbm>> -> memref<1000000x128xf32, #tpu.memory_space<hbm>>
      tpu.enqueue_indirect_dma source(%dma_start3A_245 : memref<1000000x128xf32, #tpu.memory_space<hbm>>) target(%dma_start3A_239 : memref<32x128xf32, #tpu.memory_space<vmem>>) offsets(%dma_start3A_242 : memref<32xi32, #tpu.memory_space<vmem>>) semaphore(%arg35 : memref<!tpu.dma_semaphore, #tpu.memory_space<semaphore_mem>>)
      %dma_start3A_246 = arith.constant 1 : i32
      %dma_start3A_247 = arith.constant 32 : i32
      %dma_start3A_248 = arith.constant 0 : i32
      %dma_start3A_249 = tpu.memref_slice %arg22[%dma_start3A_247, %dma_start3A_248] : memref<256x128xf32, #tpu.memory_space<vmem>> -> memref<32x128xf32, #tpu.memory_space<vmem>>
      %dma_start3A_250 = arith.constant 0 : i32
      %dma_start3A_251 = tpu.memref_slice %arg14[%dma_start3A_246, %dma_start3A_250] : memref<8x32xi32, #tpu.memory_space<vmem>> -> memref<1x32xi32, #tpu.memory_space<vmem>>
      %dma_start3A_252 = tpu.memref_squeeze %dma_start3A_251 : memref<1x32xi32, #tpu.memory_space<vmem>> -> memref<32xi32, #tpu.memory_space<vmem>>
      %dma_start3A_253 = arith.constant 0 : i32
      %dma_start3A_254 = arith.constant 0 : i32
      %dma_start3A_255 = tpu.memref_slice %arg7[%dma_start3A_253, %dma_start3A_254] : memref<1000000x128xf32, #tpu.memory_space<hbm>> -> memref<1000000x128xf32, #tpu.memory_space<hbm>>
      tpu.enqueue_indirect_dma source(%dma_start3A_255 : memref<1000000x128xf32, #tpu.memory_space<hbm>>) target(%dma_start3A_249 : memref<32x128xf32, #tpu.memory_space<vmem>>) offsets(%dma_start3A_252 : memref<32xi32, #tpu.memory_space<vmem>>) semaphore(%arg35 : memref<!tpu.dma_semaphore, #tpu.memory_space<semaphore_mem>>)
      %dma_start3A_256 = arith.constant 2 : i32
      %dma_start3A_257 = arith.constant 64 : i32
      %dma_start3A_258 = arith.constant 0 : i32
      %dma_start3A_259 = tpu.memref_slice %arg22[%dma_start3A_257, %dma_start3A_258] : memref<256x128xf32, #tpu.memory_space<vmem>> -> memref<32x128xf32, #tpu.memory_space<vmem>>
      %dma_start3A_260 = arith.constant 0 : i32
      %dma_start3A_261 = tpu.memref_slice %arg14[%dma_start3A_256, %dma_start3A_260] : memref<8x32xi32, #tpu.memory_space<vmem>> -> memref<1x32xi32, #tpu.memory_space<vmem>>
      %dma_start3A_262 = tpu.memref_squeeze %dma_start3A_261 : memref<1x32xi32, #tpu.memory_space<vmem>> -> memref<32xi32, #tpu.memory_space<vmem>>
      %dma_start3A_263 = arith.constant 0 : i32
      %dma_start3A_264 = arith.constant 0 : i32
      %dma_start3A_265 = tpu.memref_slice %arg7[%dma_start3A_263, %dma_start3A_264] : memref<1000000x128xf32, #tpu.memory_space<hbm>> -> memref<1000000x128xf32, #tpu.memory_space<hbm>>
      tpu.enqueue_indirect_dma source(%dma_start3A_265 : memref<1000000x128xf32, #tpu.memory_space<hbm>>) target(%dma_start3A_259 : memref<32x128xf32, #tpu.memory_space<vmem>>) offsets(%dma_start3A_262 : memref<32xi32, #tpu.memory_space<vmem>>) semaphore(%arg35 : memref<!tpu.dma_semaphore, #tpu.memory_space<semaphore_mem>>)
      %dma_start3A_266 = arith.constant 3 : i32
      %dma_start3A_267 = arith.constant 96 : i32
      %dma_start3A_268 = arith.constant 0 : i32
      %dma_start3A_269 = tpu.memref_slice %arg22[%dma_start3A_267, %dma_start3A_268] : memref<256x128xf32, #tpu.memory_space<vmem>> -> memref<32x128xf32, #tpu.memory_space<vmem>>
      %dma_start3A_270 = arith.constant 0 : i32
      %dma_start3A_271 = tpu.memref_slice %arg14[%dma_start3A_266, %dma_start3A_270] : memref<8x32xi32, #tpu.memory_space<vmem>> -> memref<1x32xi32, #tpu.memory_space<vmem>>
      %dma_start3A_272 = tpu.memref_squeeze %dma_start3A_271 : memref<1x32xi32, #tpu.memory_space<vmem>> -> memref<32xi32, #tpu.memory_space<vmem>>
      %dma_start3A_273 = arith.constant 0 : i32
      %dma_start3A_274 = arith.constant 0 : i32
      %dma_start3A_275 = tpu.memref_slice %arg7[%dma_start3A_273, %dma_start3A_274] : memref<1000000x128xf32, #tpu.memory_space<hbm>> -> memref<1000000x128xf32, #tpu.memory_space<hbm>>
      tpu.enqueue_indirect_dma source(%dma_start3A_275 : memref<1000000x128xf32, #tpu.memory_space<hbm>>) target(%dma_start3A_269 : memref<32x128xf32, #tpu.memory_space<vmem>>) offsets(%dma_start3A_272 : memref<32xi32, #tpu.memory_space<vmem>>) semaphore(%arg35 : memref<!tpu.dma_semaphore, #tpu.memory_space<semaphore_mem>>)
      %dma_start3A_276 = arith.constant 4 : i32
      %dma_start3A_277 = arith.constant 128 : i32
      %dma_start3A_278 = arith.constant 0 : i32
      %dma_start3A_279 = tpu.memref_slice %arg22[%dma_start3A_277, %dma_start3A_278] : memref<256x128xf32, #tpu.memory_space<vmem>> -> memref<32x128xf32, #tpu.memory_space<vmem>>
      %dma_start3A_280 = arith.constant 0 : i32
      %dma_start3A_281 = tpu.memref_slice %arg14[%dma_start3A_276, %dma_start3A_280] : memref<8x32xi32, #tpu.memory_space<vmem>> -> memref<1x32xi32, #tpu.memory_space<vmem>>
      %dma_start3A_282 = tpu.memref_squeeze %dma_start3A_281 : memref<1x32xi32, #tpu.memory_space<vmem>> -> memref<32xi32, #tpu.memory_space<vmem>>
      %dma_start3A_283 = arith.constant 0 : i32
      %dma_start3A_284 = arith.constant 0 : i32
      %dma_start3A_285 = tpu.memref_slice %arg7[%dma_start3A_283, %dma_start3A_284] : memref<1000000x128xf32, #tpu.memory_space<hbm>> -> memref<1000000x128xf32, #tpu.memory_space<hbm>>
      tpu.enqueue_indirect_dma source(%dma_start3A_285 : memref<1000000x128xf32, #tpu.memory_space<hbm>>) target(%dma_start3A_279 : memref<32x128xf32, #tpu.memory_space<vmem>>) offsets(%dma_start3A_282 : memref<32xi32, #tpu.memory_space<vmem>>) semaphore(%arg35 : memref<!tpu.dma_semaphore, #tpu.memory_space<semaphore_mem>>)
      %dma_start3A_286 = arith.constant 5 : i32
      %dma_start3A_287 = arith.constant 160 : i32
      %dma_start3A_288 = arith.constant 0 : i32
      %dma_start3A_289 = tpu.memref_slice %arg22[%dma_start3A_287, %dma_start3A_288] : memref<256x128xf32, #tpu.memory_space<vmem>> -> memref<32x128xf32, #tpu.memory_space<vmem>>
      %dma_start3A_290 = arith.constant 0 : i32
      %dma_start3A_291 = tpu.memref_slice %arg14[%dma_start3A_286, %dma_start3A_290] : memref<8x32xi32, #tpu.memory_space<vmem>> -> memref<1x32xi32, #tpu.memory_space<vmem>>
      %dma_start3A_292 = tpu.memref_squeeze %dma_start3A_291 : memref<1x32xi32, #tpu.memory_space<vmem>> -> memref<32xi32, #tpu.memory_space<vmem>>
      %dma_start3A_293 = arith.constant 0 : i32
      %dma_start3A_294 = arith.constant 0 : i32
      %dma_start3A_295 = tpu.memref_slice %arg7[%dma_start3A_293, %dma_start3A_294] : memref<1000000x128xf32, #tpu.memory_space<hbm>> -> memref<1000000x128xf32, #tpu.memory_space<hbm>>
      tpu.enqueue_indirect_dma source(%dma_start3A_295 : memref<1000000x128xf32, #tpu.memory_space<hbm>>) target(%dma_start3A_289 : memref<32x128xf32, #tpu.memory_space<vmem>>) offsets(%dma_start3A_292 : memref<32xi32, #tpu.memory_space<vmem>>) semaphore(%arg35 : memref<!tpu.dma_semaphore, #tpu.memory_space<semaphore_mem>>)
      %dma_start3A_296 = arith.constant 6 : i32
      %dma_start3A_297 = arith.constant 192 : i32
      %dma_start3A_298 = arith.constant 0 : i32
      %dma_start3A_299 = tpu.memref_slice %arg22[%dma_start3A_297, %dma_start3A_298] : memref<256x128xf32, #tpu.memory_space<vmem>> -> memref<32x128xf32, #tpu.memory_space<vmem>>
      %dma_start3A_300 = arith.constant 0 : i32
      %dma_start3A_301 = tpu.memref_slice %arg14[%dma_start3A_296, %dma_start3A_300] : memref<8x32xi32, #tpu.memory_space<vmem>> -> memref<1x32xi32, #tpu.memory_space<vmem>>
      %dma_start3A_302 = tpu.memref_squeeze %dma_start3A_301 : memref<1x32xi32, #tpu.memory_space<vmem>> -> memref<32xi32, #tpu.memory_space<vmem>>
      %dma_start3A_303 = arith.constant 0 : i32
      %dma_start3A_304 = arith.constant 0 : i32
      %dma_start3A_305 = tpu.memref_slice %arg7[%dma_start3A_303, %dma_start3A_304] : memref<1000000x128xf32, #tpu.memory_space<hbm>> -> memref<1000000x128xf32, #tpu.memory_space<hbm>>
      tpu.enqueue_indirect_dma source(%dma_start3A_305 : memref<1000000x128xf32, #tpu.memory_space<hbm>>) target(%dma_start3A_299 : memref<32x128xf32, #tpu.memory_space<vmem>>) offsets(%dma_start3A_302 : memref<32xi32, #tpu.memory_space<vmem>>) semaphore(%arg35 : memref<!tpu.dma_semaphore, #tpu.memory_space<semaphore_mem>>)
      %dma_start3A_306 = arith.constant 7 : i32
      %dma_start3A_307 = arith.constant 224 : i32
      %dma_start3A_308 = arith.constant 0 : i32
      %dma_start3A_309 = tpu.memref_slice %arg22[%dma_start3A_307, %dma_start3A_308] : memref<256x128xf32, #tpu.memory_space<vmem>> -> memref<32x128xf32, #tpu.memory_space<vmem>>
      %dma_start3A_310 = arith.constant 0 : i32
      %dma_start3A_311 = tpu.memref_slice %arg14[%dma_start3A_306, %dma_start3A_310] : memref<8x32xi32, #tpu.memory_space<vmem>> -> memref<1x32xi32, #tpu.memory_space<vmem>>
      %dma_start3A_312 = tpu.memref_squeeze %dma_start3A_311 : memref<1x32xi32, #tpu.memory_space<vmem>> -> memref<32xi32, #tpu.memory_space<vmem>>
      %dma_start3A_313 = arith.constant 0 : i32
      %dma_start3A_314 = arith.constant 0 : i32
      %dma_start3A_315 = tpu.memref_slice %arg7[%dma_start3A_313, %dma_start3A_314] : memref<1000000x128xf32, #tpu.memory_space<hbm>> -> memref<1000000x128xf32, #tpu.memory_space<hbm>>
      tpu.enqueue_indirect_dma source(%dma_start3A_315 : memref<1000000x128xf32, #tpu.memory_space<hbm>>) target(%dma_start3A_309 : memref<32x128xf32, #tpu.memory_space<vmem>>) offsets(%dma_start3A_312 : memref<32xi32, #tpu.memory_space<vmem>>) semaphore(%arg35 : memref<!tpu.dma_semaphore, #tpu.memory_space<semaphore_mem>>)
      %dma_wait3A_316 = arith.constant 0 : i32
      %dma_wait3A_317 = arith.constant 0 : i32
      %dma_wait3A_318 = tpu.memref_slice %arg12[%dma_wait3A_316, %dma_wait3A_317] : memref<8192x128xf32, #tpu.memory_space<hbm>> -> memref<32x128xf32, #tpu.memory_space<hbm>>
      %dma_wait3A_319 = arith.constant 0 : i32
      %dma_wait3A_320 = arith.constant 0 : i32
      %dma_wait3A_321 = tpu.memref_slice %arg12[%dma_wait3A_319, %dma_wait3A_320] : memref<8192x128xf32, #tpu.memory_space<hbm>> -> memref<32x128xf32, #tpu.memory_space<hbm>>
      tpu.wait_dma2 semaphore(%arg34 : memref<!tpu.dma_semaphore, #tpu.memory_space<semaphore_mem>>) src(%dma_wait3A_321 : memref<32x128xf32, #tpu.memory_space<hbm>>) dst(%arg23 : memref<32x128xf32, #tpu.memory_space<vmem>>)
      %dma_wait3A_322 = arith.constant 0 : i32
      %dma_wait3A_323 = arith.constant 0 : i32
      %dma_wait3A_324 = tpu.memref_slice %arg12[%dma_wait3A_322, %dma_wait3A_323] : memref<8192x128xf32, #tpu.memory_space<hbm>> -> memref<256x128xf32, #tpu.memory_space<hbm>>
      %dma_wait3A_325 = arith.constant 0 : i32
      %dma_wait3A_326 = arith.constant 0 : i32
      %dma_wait3A_327 = tpu.memref_slice %arg12[%dma_wait3A_325, %dma_wait3A_326] : memref<8192x128xf32, #tpu.memory_space<hbm>> -> memref<256x128xf32, #tpu.memory_space<hbm>>
      tpu.wait_dma2 semaphore(%arg34 : memref<!tpu.dma_semaphore, #tpu.memory_space<semaphore_mem>>) src(%dma_wait3A_327 : memref<256x128xf32, #tpu.memory_space<hbm>>) dst(%arg21 : memref<256x128xf32, #tpu.memory_space<vmem>>)
      %gt3A = arith.constant 0 : i32
      %gt3A_328 = arith.cmpi sgt, %scan3A_206, %gt3A : i32
      %convert_element_type3A = arith.extui %gt3A_328 : i1 to i32
      %cond3A = arith.constant 0 : i32
      %cond3A_329 = arith.cmpi ne, %convert_element_type3A, %cond3A : i32
      scf.if %cond3A_329 {
        %dma_wait3A_374 = arith.constant 0 : i32
        %dma_wait3A_375 = arith.constant 0 : i32
        %dma_wait3A_376 = tpu.memref_slice %arg12[%dma_wait3A_374, %dma_wait3A_375] : memref<8192x128xf32, #tpu.memory_space<hbm>> -> memref<32x128xf32, #tpu.memory_space<hbm>>
        %dma_wait3A_377 = arith.constant 0 : i32
        %dma_wait3A_378 = arith.constant 0 : i32
        %dma_wait3A_379 = tpu.memref_slice %arg12[%dma_wait3A_377, %dma_wait3A_378] : memref<8192x128xf32, #tpu.memory_space<hbm>> -> memref<32x128xf32, #tpu.memory_space<hbm>>
        tpu.wait_dma2 semaphore(%arg36 : memref<!tpu.dma_semaphore, #tpu.memory_space<semaphore_mem>>) src(%arg27 : memref<32x128xf32, #tpu.memory_space<vmem>>) dst(%dma_wait3A_379 : memref<32x128xf32, #tpu.memory_space<hbm>>)
      } else {
      }
      %mul3A_330 = arith.constant 32 : i32
      %mul3A_331 = arith.muli %mul3A_208, %mul3A_330 : i32
      %add3A_332 = arith.addi %mul3A_2, %mul3A_331 : i32
      %multiple_of3A_333 = tpu.assume_multiple %add3A_332, 8 : i32
      %dma_start3A_334 = arith.constant 0 : i32
      %dma_start3A_335 = tpu.memref_slice %arg12[%multiple_of3A_333, %dma_start3A_334] : memref<8192x128xf32, #tpu.memory_space<hbm>> -> memref<32x128xf32, #tpu.memory_space<hbm>>
      %dma_start3A_336 = arith.constant 0 : i32
      %dma_start3A_337 = tpu.memref_slice %arg12[%multiple_of3A_333, %dma_start3A_336] : memref<8192x128xf32, #tpu.memory_space<hbm>> -> memref<32x128xf32, #tpu.memory_space<hbm>>
      tpu.enqueue_dma source(%arg27 : memref<32x128xf32, #tpu.memory_space<vmem>>) target(%dma_start3A_337 : memref<32x128xf32, #tpu.memory_space<hbm>>) target_semaphore(%arg36 : memref<!tpu.dma_semaphore, #tpu.memory_space<semaphore_mem>>)
      %lt3A = arith.constant 3 : i32
      %lt3A_338 = arith.cmpi slt, %scan3A_206, %lt3A : i32
      %convert_element_type3A_339 = arith.extui %lt3A_338 : i1 to i32
      %cond3A_340 = arith.constant 0 : i32
      %cond3A_341 = arith.cmpi ne, %convert_element_type3A_339, %cond3A_340 : i32
      scf.if %cond3A_341 {
        %add3A_374 = arith.constant 2 : i32
        %add3A_375 = arith.addi %mul3A_208, %add3A_374 : i32
        %mul3A_376 = arith.constant 32 : i32
        %mul3A_377 = arith.muli %add3A_375, %mul3A_376 : i32
        %add3A_378 = arith.addi %mul3A_2, %mul3A_377 : i32
        %jit3A_379 = arith.constant 32 : i32
        %div3A_380 = arith.divsi %add3A_378, %jit3A_379 : i32
        %sign3A_381 = arith.constant 0 : i32
        %sign3A_382 = arith.cmpi sgt, %add3A_378, %sign3A_381 : i32
        %sign3A_383 = arith.extui %sign3A_382 : i1 to i32
        %sign3A_384 = arith.constant 0 : i32
        %sign3A_385 = arith.cmpi slt, %add3A_378, %sign3A_384 : i32
        %sign3A_386 = arith.extui %sign3A_385 : i1 to i32
        %sign3A_387 = arith.subi %sign3A_383, %sign3A_386 : i32
        %sign3A_388 = arith.constant 0 : i32
        %sign3A_389 = arith.cmpi sgt, %jit3A_379, %sign3A_388 : i32
        %sign3A_390 = arith.extui %sign3A_389 : i1 to i32
        %sign3A_391 = arith.constant 0 : i32
        %sign3A_392 = arith.cmpi slt, %jit3A_379, %sign3A_391 : i32
        %sign3A_393 = arith.extui %sign3A_392 : i1 to i32
        %sign3A_394 = arith.subi %sign3A_390, %sign3A_393 : i32
        %ne3A_395 = arith.cmpi ne, %sign3A_387, %sign3A_394 : i32
        %rem3A_396 = arith.remsi %add3A_378, %jit3A_379 : i32
        %ne3A_397 = arith.constant 0 : i32
        %ne3A_398 = arith.cmpi ne, %rem3A_396, %ne3A_397 : i32
        %and3A_399 = arith.andi %ne3A_395, %ne3A_398 : i1
        %sub3A_400 = arith.constant 1 : i32
        %sub3A_401 = arith.subi %div3A_380, %sub3A_400 : i32
        %select_n3A_402 = arith.select %and3A_399, %sub3A_401, %div3A_380 : i32
        %mul3A_403 = arith.constant 8 : i32
        %mul3A_404 = arith.muli %select_n3A_402, %mul3A_403 : i32
        %multiple_of3A_405 = tpu.assume_multiple %mul3A_404, 8 : i32
        %mul3A_406 = arith.constant 8 : i32
        %mul3A_407 = arith.muli %add3A_378, %mul3A_406 : i32
        %multiple_of3A_408 = tpu.assume_multiple %mul3A_407, 8 : i32
        %multiple_of3A_409 = tpu.assume_multiple %add3A_378, 8 : i32
        %rem3A_410 = arith.constant 2048 : i32
        %rem3A_411 = arith.remsi %add3A_378, %rem3A_410 : i32
        %multiple_of3A_412 = tpu.assume_multiple %rem3A_411, 8 : i32
        %dma_start3A_413 = arith.constant 0 : i32
        %dma_start3A_414 = tpu.memref_slice %arg2[%multiple_of3A_405, %dma_start3A_413] : memref<2048x32xi32, #tpu.memory_space<hbm>> -> memref<8x32xi32, #tpu.memory_space<hbm>>
        %dma_start3A_415 = arith.constant 0 : i32
        %dma_start3A_416 = tpu.memref_slice %arg2[%multiple_of3A_405, %dma_start3A_415] : memref<2048x32xi32, #tpu.memory_space<hbm>> -> memref<8x32xi32, #tpu.memory_space<hbm>>
        tpu.enqueue_dma source(%dma_start3A_416 : memref<8x32xi32, #tpu.memory_space<hbm>>) target(%arg13 : memref<8x32xi32, #tpu.memory_space<vmem>>) target_semaphore(%arg32 : memref<!tpu.dma_semaphore, #tpu.memory_space<semaphore_mem>>)
        %dma_start3A_417 = tpu.memref_slice %arg3[%multiple_of3A_408] : memref<65536xf32, #tpu.memory_space<hbm>> -> memref<256xf32, #tpu.memory_space<hbm>>
        %dma_start3A_418 = tpu.memref_slice %arg3[%multiple_of3A_408] : memref<65536xf32, #tpu.memory_space<hbm>> -> memref<256xf32, #tpu.memory_space<hbm>>
        tpu.enqueue_dma source(%dma_start3A_418 : memref<256xf32, #tpu.memory_space<hbm>>) target(%arg15 : memref<256xf32, #tpu.memory_space<vmem>>) target_semaphore(%arg32 : memref<!tpu.dma_semaphore, #tpu.memory_space<semaphore_mem>>)
        %dma_start3A_419 = tpu.memref_slice %arg4[%multiple_of3A_409] : memref<8192xi32, #tpu.memory_space<hbm>> -> memref<32xi32, #tpu.memory_space<hbm>>
        %dma_start3A_420 = tpu.memref_slice %arg4[%multiple_of3A_409] : memref<8192xi32, #tpu.memory_space<hbm>> -> memref<32xi32, #tpu.memory_space<hbm>>
        tpu.enqueue_dma source(%dma_start3A_420 : memref<32xi32, #tpu.memory_space<hbm>>) target(%arg17 : memref<32xi32, #tpu.memory_space<vmem>>) target_semaphore(%arg32 : memref<!tpu.dma_semaphore, #tpu.memory_space<semaphore_mem>>)
        %dma_start3A_421 = tpu.memref_slice %arg5[%multiple_of3A_409] : memref<8192xf32, #tpu.memory_space<hbm>> -> memref<32xf32, #tpu.memory_space<hbm>>
        %dma_start3A_422 = tpu.memref_slice %arg5[%multiple_of3A_409] : memref<8192xf32, #tpu.memory_space<hbm>> -> memref<32xf32, #tpu.memory_space<hbm>>
        tpu.enqueue_dma source(%dma_start3A_422 : memref<32xf32, #tpu.memory_space<hbm>>) target(%arg19 : memref<32xf32, #tpu.memory_space<vmem>>) target_semaphore(%arg32 : memref<!tpu.dma_semaphore, #tpu.memory_space<semaphore_mem>>)
        %dma_start3A_423 = arith.constant 0 : i32
        %dma_start3A_424 = tpu.memref_slice %arg8[%multiple_of3A_412, %dma_start3A_423] : memref<2048x128xf32, #tpu.memory_space<hbm>> -> memref<32x128xf32, #tpu.memory_space<hbm>>
        %dma_start3A_425 = arith.constant 0 : i32
        %dma_start3A_426 = tpu.memref_slice %arg8[%multiple_of3A_412, %dma_start3A_425] : memref<2048x128xf32, #tpu.memory_space<hbm>> -> memref<32x128xf32, #tpu.memory_space<hbm>>
        tpu.enqueue_dma source(%dma_start3A_426 : memref<32x128xf32, #tpu.memory_space<hbm>>) target(%arg25 : memref<32x128xf32, #tpu.memory_space<vmem>>) target_semaphore(%arg32 : memref<!tpu.dma_semaphore, #tpu.memory_space<semaphore_mem>>)
        %dma_wait3A_427 = arith.constant 0 : i32
        %dma_wait3A_428 = arith.constant 0 : i32
        %dma_wait3A_429 = tpu.memref_slice %arg2[%dma_wait3A_427, %dma_wait3A_428] : memref<2048x32xi32, #tpu.memory_space<hbm>> -> memref<8x32xi32, #tpu.memory_space<hbm>>
        %dma_wait3A_430 = arith.constant 0 : i32
        %dma_wait3A_431 = arith.constant 0 : i32
        %dma_wait3A_432 = tpu.memref_slice %arg2[%dma_wait3A_430, %dma_wait3A_431] : memref<2048x32xi32, #tpu.memory_space<hbm>> -> memref<8x32xi32, #tpu.memory_space<hbm>>
        tpu.wait_dma2 semaphore(%arg32 : memref<!tpu.dma_semaphore, #tpu.memory_space<semaphore_mem>>) src(%dma_wait3A_432 : memref<8x32xi32, #tpu.memory_space<hbm>>) dst(%arg13 : memref<8x32xi32, #tpu.memory_space<vmem>>)
        %dma_wait3A_433 = arith.constant 0 : i32
        %dma_wait3A_434 = tpu.memref_slice %arg3[%dma_wait3A_433] : memref<65536xf32, #tpu.memory_space<hbm>> -> memref<256xf32, #tpu.memory_space<hbm>>
        %dma_wait3A_435 = arith.constant 0 : i32
        %dma_wait3A_436 = tpu.memref_slice %arg3[%dma_wait3A_435] : memref<65536xf32, #tpu.memory_space<hbm>> -> memref<256xf32, #tpu.memory_space<hbm>>
        tpu.wait_dma2 semaphore(%arg32 : memref<!tpu.dma_semaphore, #tpu.memory_space<semaphore_mem>>) src(%dma_wait3A_436 : memref<256xf32, #tpu.memory_space<hbm>>) dst(%arg15 : memref<256xf32, #tpu.memory_space<vmem>>)
        %dma_wait3A_437 = arith.constant 0 : i32
        %dma_wait3A_438 = tpu.memref_slice %arg4[%dma_wait3A_437] : memref<8192xi32, #tpu.memory_space<hbm>> -> memref<32xi32, #tpu.memory_space<hbm>>
        %dma_wait3A_439 = arith.constant 0 : i32
        %dma_wait3A_440 = tpu.memref_slice %arg4[%dma_wait3A_439] : memref<8192xi32, #tpu.memory_space<hbm>> -> memref<32xi32, #tpu.memory_space<hbm>>
        tpu.wait_dma2 semaphore(%arg32 : memref<!tpu.dma_semaphore, #tpu.memory_space<semaphore_mem>>) src(%dma_wait3A_440 : memref<32xi32, #tpu.memory_space<hbm>>) dst(%arg17 : memref<32xi32, #tpu.memory_space<vmem>>)
        %dma_wait3A_441 = arith.constant 0 : i32
        %dma_wait3A_442 = tpu.memref_slice %arg5[%dma_wait3A_441] : memref<8192xf32, #tpu.memory_space<hbm>> -> memref<32xf32, #tpu.memory_space<hbm>>
        %dma_wait3A_443 = arith.constant 0 : i32
        %dma_wait3A_444 = tpu.memref_slice %arg5[%dma_wait3A_443] : memref<8192xf32, #tpu.memory_space<hbm>> -> memref<32xf32, #tpu.memory_space<hbm>>
        tpu.wait_dma2 semaphore(%arg32 : memref<!tpu.dma_semaphore, #tpu.memory_space<semaphore_mem>>) src(%dma_wait3A_444 : memref<32xf32, #tpu.memory_space<hbm>>) dst(%arg19 : memref<32xf32, #tpu.memory_space<vmem>>)
        %dma_wait3A_445 = arith.constant 0 : i32
        %dma_wait3A_446 = arith.constant 0 : i32
        %dma_wait3A_447 = tpu.memref_slice %arg8[%dma_wait3A_445, %dma_wait3A_446] : memref<2048x128xf32, #tpu.memory_space<hbm>> -> memref<32x128xf32, #tpu.memory_space<hbm>>
        %dma_wait3A_448 = arith.constant 0 : i32
        %dma_wait3A_449 = arith.constant 0 : i32
        %dma_wait3A_450 = tpu.memref_slice %arg8[%dma_wait3A_448, %dma_wait3A_449] : memref<2048x128xf32, #tpu.memory_space<hbm>> -> memref<32x128xf32, #tpu.memory_space<hbm>>
        tpu.wait_dma2 semaphore(%arg32 : memref<!tpu.dma_semaphore, #tpu.memory_space<semaphore_mem>>) src(%dma_wait3A_450 : memref<32x128xf32, #tpu.memory_space<hbm>>) dst(%arg25 : memref<32x128xf32, #tpu.memory_space<vmem>>)
        %dma_start3A_451 = arith.constant 0 : i32
        %dma_start3A_452 = arith.constant 0 : i32
        %dma_start3A_453 = tpu.memref_slice %arg6[%dma_start3A_451, %dma_start3A_452] : memref<100000x128xf32, #tpu.memory_space<hbm>> -> memref<100000x128xf32, #tpu.memory_space<hbm>>
        tpu.enqueue_indirect_dma source(%dma_start3A_453 : memref<100000x128xf32, #tpu.memory_space<hbm>>) target(%arg23 : memref<32x128xf32, #tpu.memory_space<vmem>>) offsets(%arg17 : memref<32xi32, #tpu.memory_space<vmem>>) semaphore(%arg34 : memref<!tpu.dma_semaphore, #tpu.memory_space<semaphore_mem>>)
        %dma_start3A_454 = arith.constant 0 : i32
        %dma_start3A_455 = arith.constant 0 : i32
        %dma_start3A_456 = arith.constant 0 : i32
        %dma_start3A_457 = tpu.memref_slice %arg21[%dma_start3A_455, %dma_start3A_456] : memref<256x128xf32, #tpu.memory_space<vmem>> -> memref<32x128xf32, #tpu.memory_space<vmem>>
        %dma_start3A_458 = arith.constant 0 : i32
        %dma_start3A_459 = tpu.memref_slice %arg13[%dma_start3A_454, %dma_start3A_458] : memref<8x32xi32, #tpu.memory_space<vmem>> -> memref<1x32xi32, #tpu.memory_space<vmem>>
        %dma_start3A_460 = tpu.memref_squeeze %dma_start3A_459 : memref<1x32xi32, #tpu.memory_space<vmem>> -> memref<32xi32, #tpu.memory_space<vmem>>
        %dma_start3A_461 = arith.constant 0 : i32
        %dma_start3A_462 = arith.constant 0 : i32
        %dma_start3A_463 = tpu.memref_slice %arg7[%dma_start3A_461, %dma_start3A_462] : memref<1000000x128xf32, #tpu.memory_space<hbm>> -> memref<1000000x128xf32, #tpu.memory_space<hbm>>
        tpu.enqueue_indirect_dma source(%dma_start3A_463 : memref<1000000x128xf32, #tpu.memory_space<hbm>>) target(%dma_start3A_457 : memref<32x128xf32, #tpu.memory_space<vmem>>) offsets(%dma_start3A_460 : memref<32xi32, #tpu.memory_space<vmem>>) semaphore(%arg34 : memref<!tpu.dma_semaphore, #tpu.memory_space<semaphore_mem>>)
        %dma_start3A_464 = arith.constant 1 : i32
        %dma_start3A_465 = arith.constant 32 : i32
        %dma_start3A_466 = arith.constant 0 : i32
        %dma_start3A_467 = tpu.memref_slice %arg21[%dma_start3A_465, %dma_start3A_466] : memref<256x128xf32, #tpu.memory_space<vmem>> -> memref<32x128xf32, #tpu.memory_space<vmem>>
        %dma_start3A_468 = arith.constant 0 : i32
        %dma_start3A_469 = tpu.memref_slice %arg13[%dma_start3A_464, %dma_start3A_468] : memref<8x32xi32, #tpu.memory_space<vmem>> -> memref<1x32xi32, #tpu.memory_space<vmem>>
        %dma_start3A_470 = tpu.memref_squeeze %dma_start3A_469 : memref<1x32xi32, #tpu.memory_space<vmem>> -> memref<32xi32, #tpu.memory_space<vmem>>
        %dma_start3A_471 = arith.constant 0 : i32
        %dma_start3A_472 = arith.constant 0 : i32
        %dma_start3A_473 = tpu.memref_slice %arg7[%dma_start3A_471, %dma_start3A_472] : memref<1000000x128xf32, #tpu.memory_space<hbm>> -> memref<1000000x128xf32, #tpu.memory_space<hbm>>
        tpu.enqueue_indirect_dma source(%dma_start3A_473 : memref<1000000x128xf32, #tpu.memory_space<hbm>>) target(%dma_start3A_467 : memref<32x128xf32, #tpu.memory_space<vmem>>) offsets(%dma_start3A_470 : memref<32xi32, #tpu.memory_space<vmem>>) semaphore(%arg34 : memref<!tpu.dma_semaphore, #tpu.memory_space<semaphore_mem>>)
        %dma_start3A_474 = arith.constant 2 : i32
        %dma_start3A_475 = arith.constant 64 : i32
        %dma_start3A_476 = arith.constant 0 : i32
        %dma_start3A_477 = tpu.memref_slice %arg21[%dma_start3A_475, %dma_start3A_476] : memref<256x128xf32, #tpu.memory_space<vmem>> -> memref<32x128xf32, #tpu.memory_space<vmem>>
        %dma_start3A_478 = arith.constant 0 : i32
        %dma_start3A_479 = tpu.memref_slice %arg13[%dma_start3A_474, %dma_start3A_478] : memref<8x32xi32, #tpu.memory_space<vmem>> -> memref<1x32xi32, #tpu.memory_space<vmem>>
        %dma_start3A_480 = tpu.memref_squeeze %dma_start3A_479 : memref<1x32xi32, #tpu.memory_space<vmem>> -> memref<32xi32, #tpu.memory_space<vmem>>
        %dma_start3A_481 = arith.constant 0 : i32
        %dma_start3A_482 = arith.constant 0 : i32
        %dma_start3A_483 = tpu.memref_slice %arg7[%dma_start3A_481, %dma_start3A_482] : memref<1000000x128xf32, #tpu.memory_space<hbm>> -> memref<1000000x128xf32, #tpu.memory_space<hbm>>
        tpu.enqueue_indirect_dma source(%dma_start3A_483 : memref<1000000x128xf32, #tpu.memory_space<hbm>>) target(%dma_start3A_477 : memref<32x128xf32, #tpu.memory_space<vmem>>) offsets(%dma_start3A_480 : memref<32xi32, #tpu.memory_space<vmem>>) semaphore(%arg34 : memref<!tpu.dma_semaphore, #tpu.memory_space<semaphore_mem>>)
        %dma_start3A_484 = arith.constant 3 : i32
        %dma_start3A_485 = arith.constant 96 : i32
        %dma_start3A_486 = arith.constant 0 : i32
        %dma_start3A_487 = tpu.memref_slice %arg21[%dma_start3A_485, %dma_start3A_486] : memref<256x128xf32, #tpu.memory_space<vmem>> -> memref<32x128xf32, #tpu.memory_space<vmem>>
        %dma_start3A_488 = arith.constant 0 : i32
        %dma_start3A_489 = tpu.memref_slice %arg13[%dma_start3A_484, %dma_start3A_488] : memref<8x32xi32, #tpu.memory_space<vmem>> -> memref<1x32xi32, #tpu.memory_space<vmem>>
        %dma_start3A_490 = tpu.memref_squeeze %dma_start3A_489 : memref<1x32xi32, #tpu.memory_space<vmem>> -> memref<32xi32, #tpu.memory_space<vmem>>
        %dma_start3A_491 = arith.constant 0 : i32
        %dma_start3A_492 = arith.constant 0 : i32
        %dma_start3A_493 = tpu.memref_slice %arg7[%dma_start3A_491, %dma_start3A_492] : memref<1000000x128xf32, #tpu.memory_space<hbm>> -> memref<1000000x128xf32, #tpu.memory_space<hbm>>
        tpu.enqueue_indirect_dma source(%dma_start3A_493 : memref<1000000x128xf32, #tpu.memory_space<hbm>>) target(%dma_start3A_487 : memref<32x128xf32, #tpu.memory_space<vmem>>) offsets(%dma_start3A_490 : memref<32xi32, #tpu.memory_space<vmem>>) semaphore(%arg34 : memref<!tpu.dma_semaphore, #tpu.memory_space<semaphore_mem>>)
        %dma_start3A_494 = arith.constant 4 : i32
        %dma_start3A_495 = arith.constant 128 : i32
        %dma_start3A_496 = arith.constant 0 : i32
        %dma_start3A_497 = tpu.memref_slice %arg21[%dma_start3A_495, %dma_start3A_496] : memref<256x128xf32, #tpu.memory_space<vmem>> -> memref<32x128xf32, #tpu.memory_space<vmem>>
        %dma_start3A_498 = arith.constant 0 : i32
        %dma_start3A_499 = tpu.memref_slice %arg13[%dma_start3A_494, %dma_start3A_498] : memref<8x32xi32, #tpu.memory_space<vmem>> -> memref<1x32xi32, #tpu.memory_space<vmem>>
        %dma_start3A_500 = tpu.memref_squeeze %dma_start3A_499 : memref<1x32xi32, #tpu.memory_space<vmem>> -> memref<32xi32, #tpu.memory_space<vmem>>
        %dma_start3A_501 = arith.constant 0 : i32
        %dma_start3A_502 = arith.constant 0 : i32
        %dma_start3A_503 = tpu.memref_slice %arg7[%dma_start3A_501, %dma_start3A_502] : memref<1000000x128xf32, #tpu.memory_space<hbm>> -> memref<1000000x128xf32, #tpu.memory_space<hbm>>
        tpu.enqueue_indirect_dma source(%dma_start3A_503 : memref<1000000x128xf32, #tpu.memory_space<hbm>>) target(%dma_start3A_497 : memref<32x128xf32, #tpu.memory_space<vmem>>) offsets(%dma_start3A_500 : memref<32xi32, #tpu.memory_space<vmem>>) semaphore(%arg34 : memref<!tpu.dma_semaphore, #tpu.memory_space<semaphore_mem>>)
        %dma_start3A_504 = arith.constant 5 : i32
        %dma_start3A_505 = arith.constant 160 : i32
        %dma_start3A_506 = arith.constant 0 : i32
        %dma_start3A_507 = tpu.memref_slice %arg21[%dma_start3A_505, %dma_start3A_506] : memref<256x128xf32, #tpu.memory_space<vmem>> -> memref<32x128xf32, #tpu.memory_space<vmem>>
        %dma_start3A_508 = arith.constant 0 : i32
        %dma_start3A_509 = tpu.memref_slice %arg13[%dma_start3A_504, %dma_start3A_508] : memref<8x32xi32, #tpu.memory_space<vmem>> -> memref<1x32xi32, #tpu.memory_space<vmem>>
        %dma_start3A_510 = tpu.memref_squeeze %dma_start3A_509 : memref<1x32xi32, #tpu.memory_space<vmem>> -> memref<32xi32, #tpu.memory_space<vmem>>
        %dma_start3A_511 = arith.constant 0 : i32
        %dma_start3A_512 = arith.constant 0 : i32
        %dma_start3A_513 = tpu.memref_slice %arg7[%dma_start3A_511, %dma_start3A_512] : memref<1000000x128xf32, #tpu.memory_space<hbm>> -> memref<1000000x128xf32, #tpu.memory_space<hbm>>
        tpu.enqueue_indirect_dma source(%dma_start3A_513 : memref<1000000x128xf32, #tpu.memory_space<hbm>>) target(%dma_start3A_507 : memref<32x128xf32, #tpu.memory_space<vmem>>) offsets(%dma_start3A_510 : memref<32xi32, #tpu.memory_space<vmem>>) semaphore(%arg34 : memref<!tpu.dma_semaphore, #tpu.memory_space<semaphore_mem>>)
        %dma_start3A_514 = arith.constant 6 : i32
        %dma_start3A_515 = arith.constant 192 : i32
        %dma_start3A_516 = arith.constant 0 : i32
        %dma_start3A_517 = tpu.memref_slice %arg21[%dma_start3A_515, %dma_start3A_516] : memref<256x128xf32, #tpu.memory_space<vmem>> -> memref<32x128xf32, #tpu.memory_space<vmem>>
        %dma_start3A_518 = arith.constant 0 : i32
        %dma_start3A_519 = tpu.memref_slice %arg13[%dma_start3A_514, %dma_start3A_518] : memref<8x32xi32, #tpu.memory_space<vmem>> -> memref<1x32xi32, #tpu.memory_space<vmem>>
        %dma_start3A_520 = tpu.memref_squeeze %dma_start3A_519 : memref<1x32xi32, #tpu.memory_space<vmem>> -> memref<32xi32, #tpu.memory_space<vmem>>
        %dma_start3A_521 = arith.constant 0 : i32
        %dma_start3A_522 = arith.constant 0 : i32
        %dma_start3A_523 = tpu.memref_slice %arg7[%dma_start3A_521, %dma_start3A_522] : memref<1000000x128xf32, #tpu.memory_space<hbm>> -> memref<1000000x128xf32, #tpu.memory_space<hbm>>
        tpu.enqueue_indirect_dma source(%dma_start3A_523 : memref<1000000x128xf32, #tpu.memory_space<hbm>>) target(%dma_start3A_517 : memref<32x128xf32, #tpu.memory_space<vmem>>) offsets(%dma_start3A_520 : memref<32xi32, #tpu.memory_space<vmem>>) semaphore(%arg34 : memref<!tpu.dma_semaphore, #tpu.memory_space<semaphore_mem>>)
        %dma_start3A_524 = arith.constant 7 : i32
        %dma_start3A_525 = arith.constant 224 : i32
        %dma_start3A_526 = arith.constant 0 : i32
        %dma_start3A_527 = tpu.memref_slice %arg21[%dma_start3A_525, %dma_start3A_526] : memref<256x128xf32, #tpu.memory_space<vmem>> -> memref<32x128xf32, #tpu.memory_space<vmem>>
        %dma_start3A_528 = arith.constant 0 : i32
        %dma_start3A_529 = tpu.memref_slice %arg13[%dma_start3A_524, %dma_start3A_528] : memref<8x32xi32, #tpu.memory_space<vmem>> -> memref<1x32xi32, #tpu.memory_space<vmem>>
        %dma_start3A_530 = tpu.memref_squeeze %dma_start3A_529 : memref<1x32xi32, #tpu.memory_space<vmem>> -> memref<32xi32, #tpu.memory_space<vmem>>
        %dma_start3A_531 = arith.constant 0 : i32
        %dma_start3A_532 = arith.constant 0 : i32
        %dma_start3A_533 = tpu.memref_slice %arg7[%dma_start3A_531, %dma_start3A_532] : memref<1000000x128xf32, #tpu.memory_space<hbm>> -> memref<1000000x128xf32, #tpu.memory_space<hbm>>
        tpu.enqueue_indirect_dma source(%dma_start3A_533 : memref<1000000x128xf32, #tpu.memory_space<hbm>>) target(%dma_start3A_527 : memref<32x128xf32, #tpu.memory_space<vmem>>) offsets(%dma_start3A_530 : memref<32xi32, #tpu.memory_space<vmem>>) semaphore(%arg34 : memref<!tpu.dma_semaphore, #tpu.memory_space<semaphore_mem>>)
      } else {
      }
      %gt3A_342 = arith.constant 0 : i32
      %gt3A_343 = arith.cmpi sgt, %scan3A_206, %gt3A_342 : i32
      %convert_element_type3A_344 = arith.extui %gt3A_343 : i1 to i32
      %cond3A_345 = arith.constant 0 : i32
      %cond3A_346 = arith.cmpi ne, %convert_element_type3A_344, %cond3A_345 : i32
      scf.if %cond3A_346 {
        %dma_wait3A_374 = arith.constant 0 : i32
        %dma_wait3A_375 = arith.constant 0 : i32
        %dma_wait3A_376 = tpu.memref_slice %arg12[%dma_wait3A_374, %dma_wait3A_375] : memref<8192x128xf32, #tpu.memory_space<hbm>> -> memref<32x128xf32, #tpu.memory_space<hbm>>
        %dma_wait3A_377 = arith.constant 0 : i32
        %dma_wait3A_378 = arith.constant 0 : i32
        %dma_wait3A_379 = tpu.memref_slice %arg12[%dma_wait3A_377, %dma_wait3A_378] : memref<8192x128xf32, #tpu.memory_space<hbm>> -> memref<32x128xf32, #tpu.memory_space<hbm>>
        tpu.wait_dma2 semaphore(%arg37 : memref<!tpu.dma_semaphore, #tpu.memory_space<semaphore_mem>>) src(%arg28 : memref<32x128xf32, #tpu.memory_space<vmem>>) dst(%dma_wait3A_379 : memref<32x128xf32, #tpu.memory_space<hbm>>)
      } else {
      }
      %dma_wait3A_347 = arith.constant 0 : i32
      %dma_wait3A_348 = arith.constant 0 : i32
      %dma_wait3A_349 = tpu.memref_slice %arg12[%dma_wait3A_347, %dma_wait3A_348] : memref<8192x128xf32, #tpu.memory_space<hbm>> -> memref<32x128xf32, #tpu.memory_space<hbm>>
      %dma_wait3A_350 = arith.constant 0 : i32
      %dma_wait3A_351 = arith.constant 0 : i32
      %dma_wait3A_352 = tpu.memref_slice %arg12[%dma_wait3A_350, %dma_wait3A_351] : memref<8192x128xf32, #tpu.memory_space<hbm>> -> memref<32x128xf32, #tpu.memory_space<hbm>>
      tpu.wait_dma2 semaphore(%arg35 : memref<!tpu.dma_semaphore, #tpu.memory_space<semaphore_mem>>) src(%dma_wait3A_352 : memref<32x128xf32, #tpu.memory_space<hbm>>) dst(%arg24 : memref<32x128xf32, #tpu.memory_space<vmem>>)
      %dma_wait3A_353 = arith.constant 0 : i32
      %dma_wait3A_354 = arith.constant 0 : i32
      %dma_wait3A_355 = tpu.memref_slice %arg12[%dma_wait3A_353, %dma_wait3A_354] : memref<8192x128xf32, #tpu.memory_space<hbm>> -> memref<256x128xf32, #tpu.memory_space<hbm>>
      %dma_wait3A_356 = arith.constant 0 : i32
      %dma_wait3A_357 = arith.constant 0 : i32
      %dma_wait3A_358 = tpu.memref_slice %arg12[%dma_wait3A_356, %dma_wait3A_357] : memref<8192x128xf32, #tpu.memory_space<hbm>> -> memref<256x128xf32, #tpu.memory_space<hbm>>
      tpu.wait_dma2 semaphore(%arg35 : memref<!tpu.dma_semaphore, #tpu.memory_space<semaphore_mem>>) src(%dma_wait3A_358 : memref<256x128xf32, #tpu.memory_space<hbm>>) dst(%arg22 : memref<256x128xf32, #tpu.memory_space<vmem>>)
      %add3A_359 = arith.constant 1 : i32
      %add3A_360 = arith.addi %mul3A_208, %add3A_359 : i32
      %mul3A_361 = arith.constant 32 : i32
      %mul3A_362 = arith.muli %add3A_360, %mul3A_361 : i32
      %add3A_363 = arith.addi %mul3A_2, %mul3A_362 : i32
      %multiple_of3A_364 = tpu.assume_multiple %add3A_363, 8 : i32
      %dma_start3A_365 = arith.constant 0 : i32
      %dma_start3A_366 = tpu.memref_slice %arg12[%multiple_of3A_364, %dma_start3A_365] : memref<8192x128xf32, #tpu.memory_space<hbm>> -> memref<32x128xf32, #tpu.memory_space<hbm>>
      %dma_start3A_367 = arith.constant 0 : i32
      %dma_start3A_368 = tpu.memref_slice %arg12[%multiple_of3A_364, %dma_start3A_367] : memref<8192x128xf32, #tpu.memory_space<hbm>> -> memref<32x128xf32, #tpu.memory_space<hbm>>
      tpu.enqueue_dma source(%arg28 : memref<32x128xf32, #tpu.memory_space<vmem>>) target(%dma_start3A_368 : memref<32x128xf32, #tpu.memory_space<hbm>>) target_semaphore(%arg37 : memref<!tpu.dma_semaphore, #tpu.memory_space<semaphore_mem>>)
      %lt3A_369 = arith.constant 3 : i32
      %lt3A_370 = arith.cmpi slt, %scan3A_206, %lt3A_369 : i32
      %convert_element_type3A_371 = arith.extui %lt3A_370 : i1 to i32
      %cond3A_372 = arith.constant 0 : i32
      %cond3A_373 = arith.cmpi ne, %convert_element_type3A_371, %cond3A_372 : i32
      scf.if %cond3A_373 {
        %add3A_374 = arith.constant 3 : i32
        %add3A_375 = arith.addi %mul3A_208, %add3A_374 : i32
        %mul3A_376 = arith.constant 32 : i32
        %mul3A_377 = arith.muli %add3A_375, %mul3A_376 : i32
        %add3A_378 = arith.addi %mul3A_2, %mul3A_377 : i32
        %jit3A_379 = arith.constant 32 : i32
        %div3A_380 = arith.divsi %add3A_378, %jit3A_379 : i32
        %sign3A_381 = arith.constant 0 : i32
        %sign3A_382 = arith.cmpi sgt, %add3A_378, %sign3A_381 : i32
        %sign3A_383 = arith.extui %sign3A_382 : i1 to i32
        %sign3A_384 = arith.constant 0 : i32
        %sign3A_385 = arith.cmpi slt, %add3A_378, %sign3A_384 : i32
        %sign3A_386 = arith.extui %sign3A_385 : i1 to i32
        %sign3A_387 = arith.subi %sign3A_383, %sign3A_386 : i32
        %sign3A_388 = arith.constant 0 : i32
        %sign3A_389 = arith.cmpi sgt, %jit3A_379, %sign3A_388 : i32
        %sign3A_390 = arith.extui %sign3A_389 : i1 to i32
        %sign3A_391 = arith.constant 0 : i32
        %sign3A_392 = arith.cmpi slt, %jit3A_379, %sign3A_391 : i32
        %sign3A_393 = arith.extui %sign3A_392 : i1 to i32
        %sign3A_394 = arith.subi %sign3A_390, %sign3A_393 : i32
        %ne3A_395 = arith.cmpi ne, %sign3A_387, %sign3A_394 : i32
        %rem3A_396 = arith.remsi %add3A_378, %jit3A_379 : i32
        %ne3A_397 = arith.constant 0 : i32
        %ne3A_398 = arith.cmpi ne, %rem3A_396, %ne3A_397 : i32
        %and3A_399 = arith.andi %ne3A_395, %ne3A_398 : i1
        %sub3A_400 = arith.constant 1 : i32
        %sub3A_401 = arith.subi %div3A_380, %sub3A_400 : i32
        %select_n3A_402 = arith.select %and3A_399, %sub3A_401, %div3A_380 : i32
        %mul3A_403 = arith.constant 8 : i32
        %mul3A_404 = arith.muli %select_n3A_402, %mul3A_403 : i32
        %multiple_of3A_405 = tpu.assume_multiple %mul3A_404, 8 : i32
        %mul3A_406 = arith.constant 8 : i32
        %mul3A_407 = arith.muli %add3A_378, %mul3A_406 : i32
        %multiple_of3A_408 = tpu.assume_multiple %mul3A_407, 8 : i32
        %multiple_of3A_409 = tpu.assume_multiple %add3A_378, 8 : i32
        %rem3A_410 = arith.constant 2048 : i32
        %rem3A_411 = arith.remsi %add3A_378, %rem3A_410 : i32
        %multiple_of3A_412 = tpu.assume_multiple %rem3A_411, 8 : i32
        %dma_start3A_413 = arith.constant 0 : i32
        %dma_start3A_414 = tpu.memref_slice %arg2[%multiple_of3A_405, %dma_start3A_413] : memref<2048x32xi32, #tpu.memory_space<hbm>> -> memref<8x32xi32, #tpu.memory_space<hbm>>
        %dma_start3A_415 = arith.constant 0 : i32
        %dma_start3A_416 = tpu.memref_slice %arg2[%multiple_of3A_405, %dma_start3A_415] : memref<2048x32xi32, #tpu.memory_space<hbm>> -> memref<8x32xi32, #tpu.memory_space<hbm>>
        tpu.enqueue_dma source(%dma_start3A_416 : memref<8x32xi32, #tpu.memory_space<hbm>>) target(%arg14 : memref<8x32xi32, #tpu.memory_space<vmem>>) target_semaphore(%arg33 : memref<!tpu.dma_semaphore, #tpu.memory_space<semaphore_mem>>)
        %dma_start3A_417 = tpu.memref_slice %arg3[%multiple_of3A_408] : memref<65536xf32, #tpu.memory_space<hbm>> -> memref<256xf32, #tpu.memory_space<hbm>>
        %dma_start3A_418 = tpu.memref_slice %arg3[%multiple_of3A_408] : memref<65536xf32, #tpu.memory_space<hbm>> -> memref<256xf32, #tpu.memory_space<hbm>>
        tpu.enqueue_dma source(%dma_start3A_418 : memref<256xf32, #tpu.memory_space<hbm>>) target(%arg16 : memref<256xf32, #tpu.memory_space<vmem>>) target_semaphore(%arg33 : memref<!tpu.dma_semaphore, #tpu.memory_space<semaphore_mem>>)
        %dma_start3A_419 = tpu.memref_slice %arg4[%multiple_of3A_409] : memref<8192xi32, #tpu.memory_space<hbm>> -> memref<32xi32, #tpu.memory_space<hbm>>
        %dma_start3A_420 = tpu.memref_slice %arg4[%multiple_of3A_409] : memref<8192xi32, #tpu.memory_space<hbm>> -> memref<32xi32, #tpu.memory_space<hbm>>
        tpu.enqueue_dma source(%dma_start3A_420 : memref<32xi32, #tpu.memory_space<hbm>>) target(%arg18 : memref<32xi32, #tpu.memory_space<vmem>>) target_semaphore(%arg33 : memref<!tpu.dma_semaphore, #tpu.memory_space<semaphore_mem>>)
        %dma_start3A_421 = tpu.memref_slice %arg5[%multiple_of3A_409] : memref<8192xf32, #tpu.memory_space<hbm>> -> memref<32xf32, #tpu.memory_space<hbm>>
        %dma_start3A_422 = tpu.memref_slice %arg5[%multiple_of3A_409] : memref<8192xf32, #tpu.memory_space<hbm>> -> memref<32xf32, #tpu.memory_space<hbm>>
        tpu.enqueue_dma source(%dma_start3A_422 : memref<32xf32, #tpu.memory_space<hbm>>) target(%arg20 : memref<32xf32, #tpu.memory_space<vmem>>) target_semaphore(%arg33 : memref<!tpu.dma_semaphore, #tpu.memory_space<semaphore_mem>>)
        %dma_start3A_423 = arith.constant 0 : i32
        %dma_start3A_424 = tpu.memref_slice %arg8[%multiple_of3A_412, %dma_start3A_423] : memref<2048x128xf32, #tpu.memory_space<hbm>> -> memref<32x128xf32, #tpu.memory_space<hbm>>
        %dma_start3A_425 = arith.constant 0 : i32
        %dma_start3A_426 = tpu.memref_slice %arg8[%multiple_of3A_412, %dma_start3A_425] : memref<2048x128xf32, #tpu.memory_space<hbm>> -> memref<32x128xf32, #tpu.memory_space<hbm>>
        tpu.enqueue_dma source(%dma_start3A_426 : memref<32x128xf32, #tpu.memory_space<hbm>>) target(%arg26 : memref<32x128xf32, #tpu.memory_space<vmem>>) target_semaphore(%arg33 : memref<!tpu.dma_semaphore, #tpu.memory_space<semaphore_mem>>)
      } else {
      }
    }
    %scan3A_193 = arith.constant 4 : i32
    %dma_wait3A_194 = arith.constant 0 : i32
    %dma_wait3A_195 = arith.constant 0 : i32
    %dma_wait3A_196 = tpu.memref_slice %arg12[%dma_wait3A_194, %dma_wait3A_195] : memref<8192x128xf32, #tpu.memory_space<hbm>> -> memref<32x128xf32, #tpu.memory_space<hbm>>
    %dma_wait3A_197 = arith.constant 0 : i32
    %dma_wait3A_198 = arith.constant 0 : i32
    %dma_wait3A_199 = tpu.memref_slice %arg12[%dma_wait3A_197, %dma_wait3A_198] : memref<8192x128xf32, #tpu.memory_space<hbm>> -> memref<32x128xf32, #tpu.memory_space<hbm>>
    tpu.wait_dma2 semaphore(%arg36 : memref<!tpu.dma_semaphore, #tpu.memory_space<semaphore_mem>>) src(%arg27 : memref<32x128xf32, #tpu.memory_space<vmem>>) dst(%dma_wait3A_199 : memref<32x128xf32, #tpu.memory_space<hbm>>)
    %dma_wait3A_200 = arith.constant 0 : i32
    %dma_wait3A_201 = arith.constant 0 : i32
    %dma_wait3A_202 = tpu.memref_slice %arg12[%dma_wait3A_200, %dma_wait3A_201] : memref<8192x128xf32, #tpu.memory_space<hbm>> -> memref<32x128xf32, #tpu.memory_space<hbm>>
    %dma_wait3A_203 = arith.constant 0 : i32
    %dma_wait3A_204 = arith.constant 0 : i32
    %dma_wait3A_205 = tpu.memref_slice %arg12[%dma_wait3A_203, %dma_wait3A_204] : memref<8192x128xf32, #tpu.memory_space<hbm>> -> memref<32x128xf32, #tpu.memory_space<hbm>>
    tpu.wait_dma2 semaphore(%arg37 : memref<!tpu.dma_semaphore, #tpu.memory_space<semaphore_mem>>) src(%arg28 : memref<32x128xf32, #tpu.memory_space<vmem>>) dst(%dma_wait3A_205 : memref<32x128xf32, #tpu.memory_space<hbm>>)
    return
  }
}

</mosaic_0001>

<sc_bundles>
// kernel: _run.3.cloned.1.call-start
scs
__scs_entry_jumppad:
0x0: {  	(pc) =	sbr.rel $0x88, $3  }
0x1: {  	(tag) =	ssettag $0x0;
	lr =	simm.s32 $0x1  }
0x2: {  	[smem:$0x3F97] =	sst lr;
	_ =	strace $0xD0000000  }
0x3: {  	_ = 	snop  }
0x4: {  	_ = 	snop  }
0x5: {  	_ = 	snop  }
0x6: {  	_ = 	snop  }
0x7: {  	_ = 	snop  }
__scs_overlays_trampoline_lowered:
0x8: {  	[smem:$0x3FA6] =	sst s0  }
0x9: {  	[smem:$0x3FA7] =	sst s1  }
0xa: {  	[smem:$0x3FA8] =	sst s2  }
0xb: {  	[smem:$0x3FA9] =	sst s3  }
0xc: {  	[smem:$0x3FAA] =	sst s4  }
0xd: {  	[smem:$0x3FAB] =	sst s5  }
0xe: {  	[smem:$0x3FAC] =	sst s6  }
0xf: {  	[smem:$0x3FAD] =	sst s7  }
0x10: {  	[smem:$0x3FAE] =	sst s8  }
0x11: {  	[smem:$0x3FAF] =	sst s9;
	s0 =	simm.s32 @!p0 $0x0  }
0x12: {  	s1 =	sld [smem:$0x3F95];
	s0 =	simm.s32 @p0 $0x1  }
0x13: {  	[smem:$0x3FB0] =	sst s0;
	s0 =	simm.s32 @!p1 $0x0  }
0x14: {  	s2 =	sld [smem:$0x3F94];
	s0 =	simm.s32 @p1 $0x1  }
0x15: {  	[smem:$0x3FB1] =	sst s0;
	s0 =	simm.s32 @!p2 $0x0  }
0x16: {  	s3 =	sld [smem:$0x3FDB];
	s0 =	simm.s32 @p2 $0x1  }
0x17: {  	s4 =	simm.s32 $0x1BF5;
	[smem:$0x3FB3] =	sst s0  }
0x18: {  	s0 =	sld [smem:$0x3F96];
	_ =	swait.ge [sflag:s4], $0x0  }
0x19: {  	s7 =	sld [smem:$0x3F97]  }
0x1a: {  	s8 =	sadd.s32 $0xFFFFE003, lr  }
0x1b: {  	s9 =	sadd.s32 $0xFFFFFEF7, lr;
	s5 =	simm.s32 $0xFFFFFFFF;
	p2 =	slt.u32 s8, $0xFFFFF086  }
0x1c: {  	p1 =	slt.u32 s9, $0xF7A;
	s5 =	simm.s32 @!p2 $0x0  }
0x1d: {  	s5 =	simm.s32 @p1 $0x1;
	p0 =	seq.s32 s7, s2  }
0x1e: {  	s7 =	smul.u32 @!p0 $0xF7A, s2;
	p2 =	seq.s32 @!p0 s5, $0x0  }
0x1f: {  	s9 =	smul.u32 $0xF7A, s1;
	s8 =	simm.s32 @!p0 $0x1BF5;
	p2 =	por !p2, p0  }
0x20: {  	[sflag:s8] =	ssyncset.s32 @!p0 $0xFFFFF086;
	s6 =	sadd.s32 @!p0 s3, s7;
	s7 =	simm.s32 @!p0 $0x108  }
0x21: {  	s3 =	sadd.s32 s3, s9;
	s6 =	sadd.s32 @!p0 $0x88, s6;
	s7 =	simm.s32 @p2 $0x1082  }
0x22: {  	[simem:s7], [sflag:s8] =	dma.local @!p0 [hbm:s6], $0xF7A  }
0x23: {  	s9 =	sor.u32 $0xD0000000, s2;
	s6 =	simm.s32 $0x108;
	_ =	swait.ge @!p0 [sflag:s8], $0x0  }
0x24: {  	s3 =	sadd.s32 $0x88, s3;
	s6 =	simm.s32 @!p1 $0x1082;
	[sflag:s4] =	ssyncset.s32 $0xFFFFF086  }
0x25: {  	[simem:s6], [sflag:s4] =	dma.local [hbm:s3], $0xF7A  }
0x26: {  	[smem:$0x3F97] =	sst s1;
	(tag) =	ssettag s2;
	_ =	strace s9  }
0x27: {  	s1 =	sld [smem:$0x3FA7]  }
0x28: {  	s2 =	sld [smem:$0x3FA8]  }
0x29: {  	s4 =	sld [smem:$0x3FAA]  }
0x2a: {  	p0 =	seq.s32 s5, $0x0;
	s5 =	sld [smem:$0x3FAB]  }
0x2b: {  	s6 =	sld [smem:$0x3FAC]  }
0x2c: {  	s7 =	sld [smem:$0x3FAD]  }
0x2d: {  	s3 =	simm.s32 $0x108;
	s8 =	sld [smem:$0x3FAE]  }
0x2e: {  	s3 =	simm.s32 @!p0 $0x1082;
	s9 =	sld [smem:$0x3FAF]  }
0x2f: {  	lr =	sadd.s32 s0, s3;
	s0 =	sld [smem:$0x3FA6]  }
0x30: {  	s3 =	sld [smem:$0x3FA9]  }
0x31: {  	[smem:$0x3FB2] =	sst s10  }
0x32: {  	s10 =	sld [smem:$0x3FB0];
	_ =	sdelay $0x3  }
0x33: {  	p0 =	seq.s32 s10, $0x1;
	s10 =	sld [smem:$0x3FB2];
	_ =	sdelay $0x3  }
0x34: {  	[smem:$0x3FB2] =	sst s10  }
0x35: {  	s10 =	sld [smem:$0x3FB1];
	_ =	sdelay $0x3  }
0x36: {  	p1 =	seq.s32 s10, $0x1;
	s10 =	sld [smem:$0x3FB2];
	_ =	sdelay $0x3  }
0x37: {  	[smem:$0x3FB2] =	sst s10  }
0x38: {  	s10 =	sld [smem:$0x3FB3]  }
0x39: {  	_ = 	snop;
	(pc) =	sbr.ind lr, $3  }
0x3a: {  	_ = 	snop  }
0x3b: {  	_ = 	snop  }
0x3c: {  	p2 =	seq.s32 s10, $0x1;
	s10 =	sld [smem:$0x3FB2]  }
0x3d: {  	_ =	shalt  }
0x3e: {  	_ =	shalt  }
0x3f: {  	_ =	shalt  }
0x40: {  	_ =	shalt  }
0x41: {  	_ =	shalt  }
0x42: {  	_ =	shalt  }
0x43: {  	_ =	shalt  }
0x44: {  	_ =	shalt  }
0x45: {  	_ =	shalt  }
0x46: {  	_ =	shalt  }
0x47: {  	_ =	shalt  }
0x48: {  	_ =	shalt  }
0x49: {  	_ =	shalt  }
0x4a: {  	_ =	shalt  }
0x4b: {  	_ =	shalt  }
0x4c: {  	_ =	shalt  }
0x4d: {  	_ =	shalt  }
0x4e: {  	_ =	shalt  }
0x4f: {  	_ =	shalt  }
0x50: {  	_ =	shalt  }
0x51: {  	_ =	shalt  }
0x52: {  	_ =	shalt  }
0x53: {  	_ =	shalt  }
0x54: {  	_ =	shalt  }
0x55: {  	_ =	shalt  }
0x56: {  	_ =	shalt  }
0x57: {  	_ =	shalt  }
0x58: {  	_ =	shalt  }
0x59: {  	_ =	shalt  }
0x5a: {  	_ =	shalt  }
0x5b: {  	_ =	shalt  }
0x5c: {  	_ =	shalt  }
0x5d: {  	_ =	shalt  }
0x5e: {  	_ =	shalt  }
0x5f: {  	_ =	shalt  }
0x60: {  	_ =	shalt  }
0x61: {  	_ =	shalt  }
0x62: {  	_ =	shalt  }
0x63: {  	_ =	shalt  }
0x64: {  	_ =	shalt  }
0x65: {  	_ =	shalt  }
0x66: {  	_ =	shalt  }
0x67: {  	_ =	shalt  }
0x68: {  	_ =	shalt  }
0x69: {  	_ =	shalt  }
0x6a: {  	_ =	shalt  }
0x6b: {  	_ =	shalt  }
0x6c: {  	_ =	shalt  }
0x6d: {  	_ =	shalt  }
0x6e: {  	_ =	shalt  }
0x6f: {  	_ =	shalt  }
0x70: {  	_ =	shalt  }
0x71: {  	_ =	shalt  }
0x72: {  	_ =	shalt  }
0x73: {  	_ =	shalt  }
0x74: {  	_ =	shalt  }
0x75: {  	_ =	shalt  }
0x76: {  	_ =	shalt  }
0x77: {  	_ =	shalt  }
0x78: {  	_ =	shalt  }
0x79: {  	_ =	shalt  }
0x7a: {  	_ =	shalt  }
0x7b: {  	_ =	shalt  }
0x7c: {  	_ =	shalt  }
0x7d: {  	_ =	shalt  }
0x7e: {  	_ =	shalt  }
0x7f: {  	_ =	shalt  }
0x80: {  	_ =	shalt  }
0x81: {  	_ =	shalt  }
0x82: {  	_ =	shalt  }
0x83: {  	_ =	shalt  }
0x84: {  	_ =	shalt  }
0x85: {  	_ =	shalt  }
0x86: {  	_ =	shalt  }
0x87: {  	_ =	shalt  }
.Lfunc_end0:
.L_simem_size_0:
called_computation_lowered:
.L_overlay_start_0:
0x88: {  	s2 =	sld [smem:$0x3FD9]  }
0x89: {  	s3 =	sld [smem:$0x3FFE];
	_ =	sdelay $0x1  }
0x8a: {  	s1 =	srdreg.scid  }
0x8b: {  	s0 =	sand.u32 $0x1, s1  }
0x8c: {  	s17 =	sshll.u32 s0, $0xA;
	s2 =	sadd.s32 s3, s2  }
0x8d: {  	s2 =	sadd.s32 s2, s17  }
0x8e: {  	[smem:$0x3FBE] =	sst s2  }
0x8f: {  	_ = 	snop  }
0x90: {  	s2 =	sld [smem:$0x3FC8]  }
0x91: {  	s18 =	sld [smem:$0x3FC7]  }
0x92: {  	s4 =	sld [smem:$0x3FC6]  }
0x93: {  	s5 =	sld [smem:$0x3FC5]  }
0x94: {  	s6 =	sld [smem:$0x3FC4]  }
0x95: {  	s7 =	sld [smem:$0x3FC3]  }
0x96: {  	s8 =	sld [smem:$0x3FC2]  }
0x97: {  	s9 =	sld [smem:$0x3FC1]  }
0x98: {  	s10 =	sld [smem:$0x3FC0]  }
0x99: {  	s11 =	sld [smem:$0x3FD0];
	(tm) =	ssettm $0x1  }
0x9a: {  	s12 =	sld [smem:$0x3FFB];
	_ =	sdelay $0x3  }
0x9b: {  	_ =	strace s12  }
0x9c: {  	s12 =	sld [smem:$0x3FFC];
	_ =	sdelay $0x3  }
0x9d: {  	_ =	strace s12  }
0x9e: {  	s12 =	sld [smem:$0x3FFD];
	_ =	sdelay $0x3  }
0x9f: {  	_ =	strace s12  }
0xa0: {  	_ =	strace $0x8FFFFFFF  }
0xa1: {  	s19 =	sld [smem:$0x3FDB];
	_ =	sdelay $0x1  }
0xa2: {  	s13 =	simm.s32 $_scs_section_size  }
0xa3: {  	s14 =	simm.s32 $_size__tile_overlayer_lowered;
	s15 =	simm.s32 $_tile_overlayer_lowered  }
0xa4: {  	s22 =	simm.s32 $0x1BFF;
	s21 =	sshll.u32 s15, $0x1;
	s12 =	sadd.s32 s13, s19  }
0xa5: {  	s16 =	simm.s32 $0x0;
	s20 =	sshll.u32 s14, $0x1;
	s14 =	sadd.s32 s21, s12  }
0xa6: {  	[timem:s16], [sflag:s22] =	dma.local [hbm:s14], s20  }
0xa7: {  	_ =	swait.ge [sflag:s22], s20  }
0xa8: {  	s13 =	ssub.s32 $0x0, s20;
	[sflag:s22] =	ssyncset.done $0x0  }
0xa9: {  	[sflag:s22] =	ssyncadd.s32 s13;
	_ =	sdelay $0x1  }
0xaa: {  	s23 =	simm.s32 $0x1B8B  }
0xab: {  	_ =	swait.ge [sflag:s23], $0x1  }
0xac: {  	[sflag:s23] =	ssyncset.done $0x0  }
0xad: {  	s25 =	simm.s32 $0x1B8E;
	s24 =	sld [smem:$0x3FFE];
	[sflag:s23] =	ssyncadd.s32 $0xFFFFFFFF  }
0xae: {  	s26 =	simm.s32 $execute0_lowered;
	[smem:$0x3FD2] =	sst s25  }
0xaf: {  	s14 =	sshll.u32 s26, $0x1;
	_ =	strace $0x80000046;
	[dreg:$0x1] =	wrdreg $0xFFFFFFFF  }
0xb0: {  	s28 =	simm.s32 $_size_execute0_lowered;
	s12 =	sadd.s32 s12, s14;
	[dreg:$0x0] =	wrdreg $0x0  }
0xb1: {  	s14 =	sshll.u32 s28, $0x1;
	[dreg:$0x2] =	wrdreg s12  }
0xb2: {  	[dreg:$0x3] =	wrdreg s14  }
0xb3: {  	[dreg:$0x4] =	wrdreg $0xC0  }
0xb4: {  	_ =	task [dreg:s16], $0x5FFFF  }
0xb5: {  	[dreg:$0x1] =	wrdreg $0xFFFFFFFF  }
0xb6: {  	[dreg:$0x0] =	wrdreg $0x60  }
0xb7: {  	[dreg:$0x2] =	wrdreg s24  }
0xb8: {  	[dreg:$0x3] =	wrdreg s2  }
0xb9: {  	[dreg:$0x4] =	wrdreg s18  }
0xba: {  	[dreg:$0x5] =	wrdreg s4  }
0xbb: {  	[dreg:$0x6] =	wrdreg s5  }
0xbc: {  	[dreg:$0x7] =	wrdreg s6  }
0xbd: {  	[dreg:$0x8] =	wrdreg s7  }
0xbe: {  	[dreg:$0x9] =	wrdreg s8  }
0xbf: {  	[dreg:$0xa] =	wrdreg s9  }
0xc0: {  	[dreg:$0xb] =	wrdreg s10  }
0xc1: {  	[dreg:$0xc] =	wrdreg s11  }
0xc2: {  	[dreg:$0xd] =	wrdreg $0x9  }
0xc3: {  	_ =	task.clear_ibuf [dreg:s16], $0xEFFFF;
	_ =	strace $0x90000046  }
0xc4: {  	s29 =	simm.s32 $0x9;
	_ =	strace $0x80000048  }
0xc5: {  	_ =	swait.ge [sflag:s29], $0x1  }
0xc6: {  	[sflag:s29] =	ssyncadd.s32 $0xFFFFFFFF  }
0xc7: {  	_ =	strace $0x90000048  }
0xc8: {  	_ =	sfence  }
0xc9: {  	s30 =	sld [smem:$0x0];
	_ =	sdelay $0x2  }
0xca: {  	s31 =	sshll.u32 s1, $0xD;
	s1 =	sshrl.u32 s1, $0x2  }
0xcb: {  	s3 =	sand.u32 $0x4000, s31;
	s1 =	sadd.s32 s1, s30  }
0xcc: {  	s0 =	sor.u32 s3, s0;
	s1 =	sshll.u32 s1, $0x11  }
0xcd: {  	s0 =	sor.u32 s1, s0  }
0xce: {  	s0 =	sadd.s32 $0x8F2B, s0  }
0xcf: {  	[sflag:s0] =	ssyncadd.remote.s32 $0x1  }
0xd0: {  	_ =	sfence.sel $0xFFFF  }
0xd1: {  	[dreg:$0x0] =	wrdreg $0xFFFFFFFF;
	(pc) =	sbr.abs _section_cstart, $3  }
0xd2: {  	[dreg:$0x1] =	wrdreg $0xFFFFFFFF  }
0xd3: {  	_ =	task.clear_ibuf [dreg:s16], $0x2FFFF;
	_ =	strace $0x9FFFFFFF  }
0xd4: {  	(tm) =	ssettm $0x7FFFFFFF  }
0xd5: {  	_ =	shalt  }
tec
execute0_lowered:
.L_overlay_start_1:
0x0: {  	(tag) =	ssettag $0x1  }
0x1: {  	s1 =	rddreg [dreg:$0x0]  }
0x2: {  	s4 =	rddreg [dreg:$0x1]  }
0x3: {  	s5 =	rddreg [dreg:$0x2]  }
0x4: {  	s6 =	rddreg [dreg:$0x3]  }
0x5: {  	s0 =	rddreg [dreg:$0x4]  }
0x6: {  	s2 =	rddreg [dreg:$0x5]  }
0x7: {  	s3 =	rddreg [dreg:$0x6];
	s7 =	srdreg.scid  }
0x8: {  	s15 =	stileid.u32;
	s9 =	rddreg [dreg:$0xa];
	s31 =	simm.s32 $0x20  }
0x9: {  	s29 =	simm.s32 $0xEC00;
	s7 =	sand.u32 $0x1, s7;
	s8 =	sshll.u32 s15, $0x1  }
0xa: {  	s1 =	sadd.s32 $0x400, s1;
	s25 =	sshll.u32 s15, $0xD;
	s26 =	sshll.u32 s15, $0xB  }
0xb: {  	s15 =	sshll.u32 s15, $0x9;
	s10 =	ssub.s32 $0x2, s7;
	s8 =	sor.u32 s7, s8  }
0xc: {  	s9 =	sadd.s32 s25, s9;
	s28 =	sshll.u32 s7, $0xA;
	s30 =	sshll.u32 s7, $0x8  }
0xd: {  	s7 =	sshll.u32 s7, $0xC;
	s11 =	sshrl.u32 s10, $0x1;
	s13 =	sshll.u32 s8, $0x8  }
0xe: {  	s21 =	sshll.u32 s8, $0xA;
	s22 =	sshll.u32 s8, $0x5;
	s17 =	sor.u32 s30, s15  }
0xf: {  	s10 =	ssub.s32 s10, s11;
	s19 =	sor.u32 $0x20, s13;
	s11 =	sadd.s32 s1, s21  }
0x10: {  	s14 =	sadd.s32 s5, s22;
	s18 =	sor.u32 $0x60, s17;
	[dreg:$0xc] =	wrdreg s11  }
0x11: {  	s21 =	sadd.s32 s15, s4;
	s12 =	sshll.u32 s19, $0x2;
	[dreg:$0xd] =	wrdreg s14  }
0x12: {  	s11 =	sadd.s32 s6, s22;
	s24 =	sshrl.u32 s19, $0x3;
	s22 =	sor.u32 $0x40, s17  }
0x13: {  	[dreg:$0xe] =	wrdreg s11;
	s23 =	sadd.s32 s1, s12;
	s16 =	sadd.s32 s5, s24  }
0x14: {  	s1 =	sadd.s32 s26, s1;
	s11 =	sadd.s32 s7, s9;
	s12 =	sor.u32 s7, s25  }
0x15: {  	s20 =	sadd.s32 s6, s24;
	s7 =	sshrl.u32 s18, $0x3;
	s9 =	sadd.s32 s30, s21  }
0x16: {  	s24 =	sadd.s32 s4, s13;
	s25 =	sshll.u32 s8, $0xC;
	s4 =	sadd.s32 s4, s19  }
0x17: {  	s26 =	sshll.u32 s19, $0x4;
	s19 =	simm.s32 $0x400;
	[dreg:$0xf] =	wrdreg s23  }
0x18: {  	s21 =	simm.s32 $0xFC00;
	s8 =	simm.s32 $0x14C00;
	[dreg:$0x10] =	wrdreg s16  }
0x19: {  	s13 =	simm.s32 $0x6;
	s1 =	sadd.s32 s28, s1;
	[dreg:$0x11] =	wrdreg s20  }
0x1a: {  	s14 =	sadd.s32 s7, s6;
	s15 =	sadd.s32 s7, s5;
	[dreg:$0x12] =	wrdreg s24  }
0x1b: {  	s23 =	sshrl.u32 s22, $0x3;
	s16 =	simm.s32 $0x0;
	[dreg:$0x13] =	wrdreg s4  }
0x1c: {  	s4 =	sand.u32 $0x7200, s26;
	s28 =	smax.u32 s10, $0x1;
	s30 =	sadd.s32 $0x60, s9  }
0x1d: {  	s7 =	simm.s32 $0x2;
	s9 =	simm.s32 $0x4;
	s10 =	simm.s32 $0x15C00  }
0x1e: {  	s20 =	simm.s32 $0x0;
	[smem:$0x7FF] =	sst s16;
	s4 =	sadd.s32 s3, s4  }
.Ltmp0:
0x1f: {  	_ =	strace $0x80000047;
	[dreg:$0x15] =	wrdreg s4;
	(pc) =	sbr.rel .LBB2_1-.Ltmp0, $4  }
0x20: {  	s17 =	sadd.s32 s23, s6;
	s1 =	sadd.s32 $0x180, s1;
	[dreg:$0x16] =	wrdreg s28  }
0x21: {  	s18 =	sadd.s32 s23, s5;
	s5 =	sand.u32 $0x7000, s25;
	[dreg:$0x17] =	wrdreg s1  }
0x22: {  	s6 =	simm.s32 $0x3;
	s5 =	sadd.s32 s3, s5;
	[dreg:$0x18] =	wrdreg s30  }
0x23: {  	s1 =	simm.s32 $0x780;
	[dreg:$0x14] =	wrdreg s5;
	s5 =	simm.s32 $0xA80  }
.LBB2_4:
0x24: {  	s4 =	simm.s32 $0x5  }
0x25: {  	_ =	swait.ge [sflag:s4], $0x1000  }
0x26: {  	[sflag:s4] =	ssyncset.done $0x0  }
0x27: {  	[sflag:s4] =	ssyncadd.s32 $0xFFFFF000  }
0x28: {  	_ =	swait.ge [sflag:s13], $0x1000  }
0x29: {  	s20 =	rddreg [dreg:$0x19]  }
0x2a: {  	s30 =	rddreg [dreg:$0x16];
	s20 =	sadd.s32 $0x1, s20  }
0x2b: {  	p0 =	sne.s32 s20, s30  }
.Ltmp1:
0x2c: {  	_ = 	snop;
	(pc) =	sbr.rel @!p0 .LBB2_5-.Ltmp1, $3  }
0x2d: {  	_ =	sdelay $0x1  }
0x2e: {  	[sflag:s13] =	ssyncset.done $0x0  }
0x2f: {  	[sflag:s13] =	ssyncadd.s32 $0xFFFFF000  }
.LBB2_1:
0x30: {  	[dreg:$0x19] =	wrdreg s20  }
0x31: {  	s4 =	rddreg [dreg:$0x7];
	s28 =	simm.s32 $0x16C00;
	s30 =	simm.s32 $0x7  }
0x32: {  	[tilespmem:s28], [sflag:$0x7] =	stream.linear.gather [hbm4b:s4+s16], $0x100, $0x38;
	[tilespmem:$0x16E00] =	vst v63  }
0x33: {  	_ =	swait.ge [sflag:s30], $0x100  }
0x34: {  	[sflag:s30] =	ssyncset.done $0x0  }
0x35: {  	[sflag:s30] =	ssyncadd.s32 $0xFFFFFF00  }
0x36: {  	s22 =	simm.s32 $0x16D00;
	s23 =	rddreg [dreg:$0x8]  }
0x37: {  	[tilespmem:s22], [sflag:$0x7] =	stream.linear.gather [hbm4b:s23+s16], $0x80, $0x38;
	[tilespmem:$0x16E00] =	vst v63  }
0x38: {  	_ =	swait.ge [sflag:s30], $0x80  }
0x39: {  	[sflag:s30] =	ssyncset.done $0x0  }
0x3a: {  	[sflag:s30] =	ssyncadd.s32 $0xFFFFFF80  }
0x3b: {  	s25 =	simm.s32 $0x16D80;
	s24 =	rddreg [dreg:$0x9]  }
0x3c: {  	[tilespmem:s25], [sflag:$0x7] =	stream.linear.gather [hbm4b:s24+s16], $0x80, $0x38;
	[tilespmem:$0x16E00] =	vst v63  }
0x3d: {  	_ =	swait.ge [sflag:s30], $0x80  }
0x3e: {  	[sflag:s30] =	ssyncset.done $0x0  }
0x3f: {  	s26 =	rddreg [dreg:$0xc];
	[sflag:s30] =	ssyncadd.s32 $0xFFFFFF80  }
0x40: {  	[tilespmem:s16], [sflag:$0x1] =	stream.linear.gather [hbm4b:s26+s16], $0x400, $0x38;
	[tilespmem:$0x16E00] =	vst v63  }
0x41: {  	s28 =	rddreg [dreg:$0x12];
	s30 =	simm.s32 $0x800  }
0x42: {  	[tilespmem:s30], [sflag:$0x1] =	stream.linear.gather [hbm4b:s28+s16], $0x100, $0x38;
	[tilespmem:$0x16E00] =	vst v63  }
0x43: {  	s20 =	simm.s32 $0xA00;
	s22 =	rddreg [dreg:$0xd]  }
0x44: {  	[tilespmem:s20], [sflag:$0x1] =	stream.linear.gather [hbm4b:s22+s16], $0x20, $0x38;
	[tilespmem:$0x16E00] =	vst v63  }
0x45: {  	s24 =	simm.s32 $0xB00;
	s23 =	rddreg [dreg:$0xe]  }
0x46: {  	[tilespmem:s24], [sflag:$0x1] =	stream.linear.gather [hbm4b:s23+s16], $0x20, $0x38;
	[tilespmem:$0x16E00] =	vst v63  }
0x47: {  	s25 =	rddreg [dreg:$0x14];
	s26 =	simm.s32 $0x12C00;
	s28 =	simm.s32 $0x1  }
0x48: {  	[tilespmem:s26], [sflag:$0x1] =	stream.linear.gather [hbm4b:s25+s16], $0x1000, $0x38;
	[tilespmem:$0x16E00] =	vst v63  }
0x49: {  	_ =	swait.ge [sflag:s28], $0x400  }
0x4a: {  	[sflag:s28] =	ssyncset.done $0x0  }
0x4b: {  	[sflag:s28] =	ssyncadd.s32 $0xFFFFFC00  }
0x4c: {  	_ =	swait.ge [sflag:s28], $0x100  }
0x4d: {  	[sflag:s28] =	ssyncset.done $0x0  }
0x4e: {  	[sflag:s28] =	ssyncadd.s32 $0xFFFFFF00  }
0x4f: {  	_ =	swait.ge [sflag:s28], $0x20  }
0x50: {  	[sflag:s28] =	ssyncset.done $0x0  }
0x51: {  	[sflag:s28] =	ssyncadd.s32 $0xFFFFFFE0  }
0x52: {  	_ =	swait.ge [sflag:s28], $0x20  }
0x53: {  	[sflag:s28] =	ssyncset.done $0x0  }
0x54: {  	[sflag:s28] =	ssyncadd.s32 $0xFFFFFFE0  }
0x55: {  	_ =	swait.ge [sflag:s28], $0x1000  }
0x56: {  	[sflag:s28] =	ssyncset.done $0x0  }
0x57: {  	s30 =	simm.s32 $0x10C00;
	[sflag:s28] =	ssyncadd.s32 $0xFFFFF000  }
0x58: {  	[tilespmem:s30], [sflag:$0x3] =	stream.indirect.gather [hbm4b:s0+s31], $0x80, s20, s31, $0xb8;
	[tilespmem:$0x16E00] =	vst v63  }
0x59: {  	s22 =	simm.s32 $0xC00  }
0x5a: {  	[tilespmem:s22], [sflag:$0x3] =	stream.indirect.gather [hbm4b:s2+s31], $0x80, s16, s31, $0xb8;
	[tilespmem:$0x16E00] =	vst v63  }
0x5b: {  	s23 =	simm.s32 $0x80;
	s24 =	simm.s32 $0x1C00  }
0x5c: {  	[tilespmem:s24], [sflag:$0x3] =	stream.indirect.gather [hbm4b:s2+s31], $0x80, s23, s31, $0xb8;
	[tilespmem:$0x16E00] =	vst v63  }
0x5d: {  	s25 =	simm.s32 $0x100;
	s26 =	simm.s32 $0x2C00  }
0x5e: {  	[tilespmem:s26], [sflag:$0x3] =	stream.indirect.gather [hbm4b:s2+s31], $0x80, s25, s31, $0xb8;
	[tilespmem:$0x16E00] =	vst v63  }
0x5f: {  	s28 =	simm.s32 $0x180;
	s30 =	simm.s32 $0x3C00  }
0x60: {  	[tilespmem:s30], [sflag:$0x3] =	stream.indirect.gather [hbm4b:s2+s31], $0x80, s28, s31, $0xb8;
	[tilespmem:$0x16E00] =	vst v63  }
0x61: {  	s20 =	simm.s32 $0x200;
	s22 =	simm.s32 $0x4C00  }
0x62: {  	[tilespmem:s22], [sflag:$0x3] =	stream.indirect.gather [hbm4b:s2+s31], $0x80, s20, s31, $0xb8;
	[tilespmem:$0x16E00] =	vst v63  }
0x63: {  	s23 =	simm.s32 $0x280;
	s24 =	simm.s32 $0x5C00  }
0x64: {  	[tilespmem:s24], [sflag:$0x3] =	stream.indirect.gather [hbm4b:s2+s31], $0x80, s23, s31, $0xb8;
	[tilespmem:$0x16E00] =	vst v63  }
0x65: {  	s25 =	simm.s32 $0x300;
	s26 =	simm.s32 $0x6C00;
	s20 =	rddreg [dreg:$0xf]  }
0x66: {  	[tilespmem:s26], [sflag:$0x3] =	stream.indirect.gather [hbm4b:s2+s31], $0x80, s25, s31, $0xb8;
	[tilespmem:$0x16E00] =	vst v63  }
0x67: {  	s28 =	simm.s32 $0x380;
	s30 =	simm.s32 $0x7C00;
	s22 =	rddreg [dreg:$0x13]  }
0x68: {  	[tilespmem:s30], [sflag:$0x3] =	stream.indirect.gather [hbm4b:s2+s31], $0x80, s28, s31, $0xb8;
	[tilespmem:$0x16E00] =	vst v63  }
0x69: {  	s24 =	rddreg [dreg:$0x10]  }
0x6a: {  	[tilespmem:s19], [sflag:$0x2] =	stream.linear.gather [hbm4b:s20+s16], $0x400, $0x38;
	[tilespmem:$0x16E00] =	vst v63  }
0x6b: {  	s23 =	simm.s32 $0x900;
	s25 =	rddreg [dreg:$0x11]  }
0x6c: {  	[tilespmem:s23], [sflag:$0x2] =	stream.linear.gather [hbm4b:s22+s16], $0x100, $0x38;
	[tilespmem:$0x16E00] =	vst v63  }
0x6d: {  	s28 =	rddreg [dreg:$0x15]  }
0x6e: {  	[tilespmem:s5], [sflag:$0x2] =	stream.linear.gather [hbm4b:s24+s16], $0x20, $0x38;
	[tilespmem:$0x16E00] =	vst v63  }
0x6f: {  	s26 =	simm.s32 $0xB80;
	s30 =	simm.s32 $0x13C00;
	s22 =	rddreg [dreg:$0x18]  }
0x70: {  	[tilespmem:s26], [sflag:$0x2] =	stream.linear.gather [hbm4b:s25+s16], $0x20, $0x38;
	[tilespmem:$0x16E00] =	vst v63  }
0x71: {  	s20 =	simm.s32 $0x0;
	s23 =	rddreg [dreg:$0x17];
	s24 =	simm.s32 $0x0  }
0x72: {  	[tilespmem:s30], [sflag:$0x2] =	stream.linear.gather [hbm4b:s28+s16], $0x1000, $0x38;
	[tilespmem:$0x16E00] =	vst v63  }
.LBB2_2:
0x73: {  	_ =	swait.ge [sflag:s7], $0x400  }
0x74: {  	[sflag:s7] =	ssyncset.done $0x0  }
0x75: {  	[sflag:s7] =	ssyncadd.s32 $0xFFFFFC00  }
0x76: {  	_ =	swait.ge [sflag:s7], $0x100  }
0x77: {  	[sflag:s7] =	ssyncset.done $0x0  }
0x78: {  	[sflag:s7] =	ssyncadd.s32 $0xFFFFFF00  }
0x79: {  	_ =	swait.ge [sflag:s7], $0x20  }
0x7a: {  	[sflag:s7] =	ssyncset.done $0x0  }
0x7b: {  	[sflag:s7] =	ssyncadd.s32 $0xFFFFFFE0  }
0x7c: {  	_ =	swait.ge [sflag:s7], $0x20  }
0x7d: {  	[sflag:s7] =	ssyncset.done $0x0  }
0x7e: {  	[sflag:s7] =	ssyncadd.s32 $0xFFFFFFE0  }
0x7f: {  	_ =	swait.ge [sflag:s7], $0x1000  }
0x80: {  	[sflag:s7] =	ssyncset.done $0x0  }
0x81: {  	s4 =	simm.s32 $0x11C00;
	[sflag:s7] =	ssyncadd.s32 $0xFFFFF000  }
0x82: {  	[tilespmem:s4], [sflag:$0x4] =	stream.indirect.gather [hbm4b:s0+s31], $0x80, s5, s31, $0xb8;
	[tilespmem:$0x16E00] =	vst v63  }
0x83: {  	s25 =	simm.s32 $0x8C00  }
0x84: {  	[tilespmem:s25], [sflag:$0x4] =	stream.indirect.gather [hbm4b:s2+s31], $0x80, s19, s31, $0xb8;
	[tilespmem:$0x16E00] =	vst v63  }
0x85: {  	s26 =	simm.s32 $0x480;
	s25 =	simm.s32 $0x9C00  }
0x86: {  	[tilespmem:s25], [sflag:$0x4] =	stream.indirect.gather [hbm4b:s2+s31], $0x80, s26, s31, $0xb8;
	[tilespmem:$0x16E00] =	vst v63  }
0x87: {  	s28 =	simm.s32 $0x500;
	s30 =	simm.s32 $0xAC00  }
0x88: {  	[tilespmem:s30], [sflag:$0x4] =	stream.indirect.gather [hbm4b:s2+s31], $0x80, s28, s31, $0xb8;
	[tilespmem:$0x16E00] =	vst v63  }
0x89: {  	s25 =	simm.s32 $0x580;
	s26 =	simm.s32 $0xBC00  }
0x8a: {  	[tilespmem:s26], [sflag:$0x4] =	stream.indirect.gather [hbm4b:s2+s31], $0x80, s25, s31, $0xb8;
	[tilespmem:$0x16E00] =	vst v63  }
0x8b: {  	s28 =	simm.s32 $0x600;
	s30 =	simm.s32 $0xCC00  }
0x8c: {  	[tilespmem:s30], [sflag:$0x4] =	stream.indirect.gather [hbm4b:s2+s31], $0x80, s28, s31, $0xb8;
	[tilespmem:$0x16E00] =	vst v63  }
0x8d: {  	s25 =	simm.s32 $0x680;
	s26 =	simm.s32 $0xDC00  }
0x8e: {  	[tilespmem:s26], [sflag:$0x4] =	stream.indirect.gather [hbm4b:s2+s31], $0x80, s25, s31, $0xb8;
	[tilespmem:$0x16E00] =	vst v63  }
0x8f: {  	s28 =	simm.s32 $0x700  }
0x90: {  	[tilespmem:s29], [sflag:$0x4] =	stream.indirect.gather [hbm4b:s2+s31], $0x80, s28, s31, $0xb8;
	[tilespmem:$0x16E00] =	vst v63  }
0x91: {  	_ = 	snop  }
0x92: {  	[tilespmem:s21], [sflag:$0x4] =	stream.indirect.gather [hbm4b:s2+s31], $0x80, s1, s31, $0xb8;
	[tilespmem:$0x16E00] =	vst v63  }
0x93: {  	_ =	swait.ge [sflag:s6], $0x1000  }
0x94: {  	[sflag:s6] =	ssyncset.done $0x0  }
0x95: {  	[sflag:s6] =	ssyncadd.s32 $0xFFFFF000  }
0x96: {  	_ =	swait.ge [sflag:s6], $0x8000  }
0x97: {  	p0 =	seq.s32 s24, $0x0;
	[sflag:s6] =	ssyncset.done $0x0  }
0x98: {  	s25 =	simm.s32 @!p0 $0x5;
	[sflag:s6] =	ssyncadd.s32 $0xFFFF8000  }
0x99: {  	_ =	swait.ge @!p0 [sflag:s25], $0x1000  }
0x9a: {  	[sflag:s25] =	ssyncset.done @!p0 $0x0  }
0x9b: {  	[sflag:s25] =	ssyncadd.s32 @!p0 $0xFFFFF000;
	s25 =	sadd.s32 s24, s11;
	p0 =	seq.s32 s24, $0xC00  }
0x9c: {  	[hbm4b:s25+s16] =	stream.linear.scatter [tilespmem:s8], [sflag:$0x5], $0x1000, $0x38;
	[tilespmem:$0x16E00] =	vst v63  }
0x9d: {  	s26 =	sadd.s32 @!p0 $0xFFFFFF80, s23;
	s4 =	simm.s32 @!p0 $0x0  }
0x9e: {  	[tilespmem:s4], [sflag:$0x1] =	stream.linear.gather @!p0 [hbm4b:s26+s4], $0x400, $0x38;
	[tilespmem:$0x16E00] =	vst v63  }
0x9f: {  	s28 =	simm.s32 @!p0 $0x800;
	s26 =	sadd.s32 @!p0 $0xFFFFFFE0, s22  }
0xa0: {  	[tilespmem:s28], [sflag:$0x1] =	stream.linear.gather @!p0 [hbm4b:s26+s4], $0x100, $0x38;
	[tilespmem:$0x16E00] =	vst v63  }
0xa1: {  	s26 =	sadd.s32 @!p0 s20, s18;
	s28 =	simm.s32 @!p0 $0xA00  }
0xa2: {  	[tilespmem:s28], [sflag:$0x1] =	stream.linear.gather @!p0 [hbm4b:s26+s4], $0x20, $0x38;
	[tilespmem:$0x16E00] =	vst v63  }
0xa3: {  	s30 =	simm.s32 @!p0 $0xB00;
	s26 =	sadd.s32 @!p0 s20, s17  }
0xa4: {  	[tilespmem:s30], [sflag:$0x1] =	stream.linear.gather @!p0 [hbm4b:s26+s4], $0x20, $0x38;
	[tilespmem:$0x16E00] =	vst v63  }
0xa5: {  	s26 =	sadd.s32 @!p0 s24, s12  }
0xa6: {  	s26 =	sadd.s32 @!p0 $0x400, s26  }
0xa7: {  	s26 =	sand.u32 @!p0 $0x7C00, s26  }
0xa8: {  	s30 =	simm.s32 @!p0 $0x12C00;
	s26 =	sadd.s32 @!p0 s3, s26  }
0xa9: {  	[tilespmem:s30], [sflag:$0x1] =	stream.linear.gather @!p0 [hbm4b:s26+s4], $0x1000, $0x38;
	[tilespmem:$0x16E00] =	vst v63  }
0xaa: {  	s26 =	simm.s32 @!p0 $0x1  }
0xab: {  	_ =	swait.ge @!p0 [sflag:s26], $0x400  }
0xac: {  	[sflag:s26] =	ssyncset.done @!p0 $0x0  }
0xad: {  	[sflag:s26] =	ssyncadd.s32 @!p0 $0xFFFFFC00  }
0xae: {  	_ =	swait.ge @!p0 [sflag:s26], $0x100  }
0xaf: {  	[sflag:s26] =	ssyncset.done @!p0 $0x0  }
0xb0: {  	[sflag:s26] =	ssyncadd.s32 @!p0 $0xFFFFFF00  }
0xb1: {  	_ =	swait.ge @!p0 [sflag:s26], $0x20  }
0xb2: {  	[sflag:s26] =	ssyncset.done @!p0 $0x0  }
0xb3: {  	[sflag:s26] =	ssyncadd.s32 @!p0 $0xFFFFFFE0  }
0xb4: {  	_ =	swait.ge @!p0 [sflag:s26], $0x20  }
0xb5: {  	[sflag:s26] =	ssyncset.done @!p0 $0x0  }
0xb6: {  	[sflag:s26] =	ssyncadd.s32 @!p0 $0xFFFFFFE0  }
0xb7: {  	_ =	swait.ge @!p0 [sflag:s26], $0x1000  }
0xb8: {  	[sflag:s26] =	ssyncset.done @!p0 $0x0  }
0xb9: {  	s30 =	simm.s32 @!p0 $0x10C00;
	[sflag:s26] =	ssyncadd.s32 @!p0 $0xFFFFF000;
	s26 =	simm.s32 @!p0 $0x20  }
0xba: {  	[tilespmem:s30], [sflag:$0x3] =	stream.indirect.gather @!p0 [hbm4b:s0+s26], $0x80, s28, s26, $0xb8;
	[tilespmem:$0x16E00] =	vst v63  }
0xbb: {  	s28 =	simm.s32 @!p0 $0xC00  }
0xbc: {  	[tilespmem:s28], [sflag:$0x3] =	stream.indirect.gather @!p0 [hbm4b:s2+s26], $0x80, s4, s26, $0xb8;
	[tilespmem:$0x16E00] =	vst v63  }
0xbd: {  	s4 =	simm.s32 @!p0 $0x80;
	s28 =	simm.s32 @!p0 $0x1C00  }
0xbe: {  	[tilespmem:s28], [sflag:$0x3] =	stream.indirect.gather @!p0 [hbm4b:s2+s26], $0x80, s4, s26, $0xb8;
	[tilespmem:$0x16E00] =	vst v63  }
0xbf: {  	s4 =	simm.s32 @!p0 $0x100;
	s28 =	simm.s32 @!p0 $0x2C00  }
0xc0: {  	[tilespmem:s28], [sflag:$0x3] =	stream.indirect.gather @!p0 [hbm4b:s2+s26], $0x80, s4, s26, $0xb8;
	[tilespmem:$0x16E00] =	vst v63  }
0xc1: {  	s4 =	simm.s32 @!p0 $0x180;
	s28 =	simm.s32 @!p0 $0x3C00  }
0xc2: {  	[tilespmem:s28], [sflag:$0x3] =	stream.indirect.gather @!p0 [hbm4b:s2+s26], $0x80, s4, s26, $0xb8;
	[tilespmem:$0x16E00] =	vst v63  }
0xc3: {  	s4 =	simm.s32 @!p0 $0x200;
	s28 =	simm.s32 @!p0 $0x4C00  }
0xc4: {  	[tilespmem:s28], [sflag:$0x3] =	stream.indirect.gather @!p0 [hbm4b:s2+s26], $0x80, s4, s26, $0xb8;
	[tilespmem:$0x16E00] =	vst v63  }
0xc5: {  	s4 =	simm.s32 @!p0 $0x280;
	s28 =	simm.s32 @!p0 $0x5C00  }
0xc6: {  	[tilespmem:s28], [sflag:$0x3] =	stream.indirect.gather @!p0 [hbm4b:s2+s26], $0x80, s4, s26, $0xb8;
	[tilespmem:$0x16E00] =	vst v63  }
0xc7: {  	p1 =	seq.s32 @!p0 s24, $0x0;
	s4 =	simm.s32 @!p0 $0x300;
	s28 =	simm.s32 @!p0 $0x6C00  }
0xc8: {  	[tilespmem:s28], [sflag:$0x3] =	stream.indirect.gather @!p0 [hbm4b:s2+s26], $0x80, s4, s26, $0xb8;
	[tilespmem:$0x16E00] =	vst v63  }
0xc9: {  	p1 =	por p0, !p1;
	s4 =	simm.s32 @!p0 $0x380;
	s28 =	simm.s32 @!p0 $0x7C00  }
0xca: {  	[tilespmem:s28], [sflag:$0x3] =	stream.indirect.gather @!p0 [hbm4b:s2+s26], $0x80, s4, s26, $0xb8;
	[tilespmem:$0x16E00] =	vst v63  }
0xcb: {  	_ =	swait.ge @p1 [sflag:s13], $0x1000  }
0xcc: {  	[sflag:s13] =	ssyncset.done @p1 $0x0  }
0xcd: {  	[sflag:s13] =	ssyncadd.s32 @p1 $0xFFFFF000  }
0xce: {  	_ =	swait.ge [sflag:s9], $0x1000  }
0xcf: {  	[sflag:s9] =	ssyncset.done $0x0  }
.Ltmp2:
0xd0: {  	[sflag:s9] =	ssyncadd.s32 $0xFFFFF000;
	(pc) =	sbr.rel @p0 .LBB2_4-.Ltmp2, $4  }
0xd1: {  	_ =	swait.ge [sflag:s9], $0x8000  }
0xd2: {  	[sflag:s9] =	ssyncset.done $0x0  }
0xd3: {  	s30 =	sadd.s32 $0x200, s25;
	[sflag:s9] =	ssyncadd.s32 $0xFFFF8000  }
0xd4: {  	[hbm4b:s30+s16] =	stream.linear.scatter [tilespmem:s10], [sflag:$0x6], $0x1000, $0x38;
	[tilespmem:$0x16E00] =	vst v63  }
0xd5: {  	[tilespmem:s19], [sflag:$0x2] =	stream.linear.gather [hbm4b:s23+s16], $0x400, $0x38;
	[tilespmem:$0x16E00] =	vst v63  }
0xd6: {  	s4 =	simm.s32 $0x900;
	s25 =	sadd.s32 s20, s15  }
0xd7: {  	[tilespmem:s4], [sflag:$0x2] =	stream.linear.gather [hbm4b:s22+s16], $0x100, $0x38;
	[tilespmem:$0x16E00] =	vst v63  }
0xd8: {  	s26 =	sadd.s32 s20, s14;
	s28 =	sadd.s32 s24, s12;
	s30 =	simm.s32 $0x13C00  }
0xd9: {  	[tilespmem:s5], [sflag:$0x2] =	stream.linear.gather [hbm4b:s25+s16], $0x20, $0x38;
	[tilespmem:$0x16E00] =	vst v63  }
.Ltmp3:
0xda: {  	s24 =	sadd.s32 $0x400, s24;
	s4 =	sadd.s32 $0x600, s28;
	(pc) =	sbr.rel .LBB2_2-.Ltmp3, $4  }
0xdb: {  	s23 =	sadd.s32 $0x100, s23;
	s4 =	sand.u32 $0x7E00, s4;
	s25 =	simm.s32 $0xB80  }
0xdc: {  	[tilespmem:s25], [sflag:$0x2] =	stream.linear.gather [hbm4b:s26+s16], $0x20, $0x38;
	[tilespmem:$0x16E00] =	vst v63  }
0xdd: {  	s20 =	sadd.s32 $0x8, s20;
	s22 =	sadd.s32 $0x40, s22;
	s4 =	sadd.s32 s3, s4  }
0xde: {  	[tilespmem:s30], [sflag:$0x2] =	stream.linear.gather [hbm4b:s4+s16], $0x1000, $0x38;
	[tilespmem:$0x16E00] =	vst v63  }
.LBB2_5:
0xdf: {  	_ =	sfence.sel $0x180000  }
0xe0: {  	[bflag:$0x0] =	sbarrier.arrive $0xFFFF  }
0xe1: {  	_ =	strace $0x90000047  }
0xe2: {  	s0 =	stileid.u32;
	[bflag:$0x2] =	sbarrier.arrive $0xFFFF  }
0xe3: {  	p0 =	sne.s32 s0, $0x0;
	s0 =	rddreg [dreg:$0xb]  }
0xe4: {  	s0 =	sadd.s32 @!p0 $0x100000, s0  }
0xe5: {  	[sflag:s0] =	ssyncadd.tile.s32 @!p0 $0x1;
	_ =	shalt  }
.Lfunc_end2:
_tile_overlayer_lowered:
.L_overlay_start_2:
0xe6: {  	(tag) =	ssettag $0x2  }
0xe7: {  	s0 =	rddreg [dreg:$0x0];
	s2 =	stileid.u32  }
0xe8: {  	s1 =	rddreg [dreg:$0x1];
	p0 =	sne.s32 s2, $0x0  }
0xe9: {  	s3 =	rddreg [dreg:$0x2];
	[bflag:$0x3] =	sbarrier.arrive $0xFFFF;
	s2 =	simm.s32 @!p0 $0x1C07  }
0xea: {  	[timem:s3], [sflag:s2] =	dma.local @!p0 [hbm:s0], s1  }
0xeb: {  	s0 =	simm.s32 @!p0 $0x7  }
0xec: {  	_ =	swait.ge @!p0 [sflag:s0], s1  }
0xed: {  	s1 =	ssub.s32 @!p0 $0x0, s1;
	[sflag:s0] =	ssyncset.done @!p0 $0x0  }
0xee: {  	[sflag:s0] =	ssyncadd.s32 @!p0 s1  }
0xef: {  	[bflag:$0x3] =	sbarrier.arrive $0xFFFF  }
0xf0: {  	_ =	shalt  }

</sc_bundles>
